<compile_context>
chip_gen: v7x
topology: tpu7x:2x2x1
jax: 0.10.2.dev20260603
libtpu: 0.0.44.dev20260713+nightly
codegen_flags: <defaults>
</compile_context>

<pallas_src>
import functools

import jax
import jax.numpy as jnp
from jax import lax
from jax.experimental import pallas as pl
from jax.experimental.pallas import tpu as pltpu
from jax.experimental.pallas import tpu_sc as plsc

_SC_PARAMS = pltpu.CompilerParams(use_tc_tiling_on_sc=False)

N = 10000
NP = 10240
E = 320000
NW = 32
EPW = E // NW
NSUB = 16
RPS = NP // NSUB
NBUF = 2

D1 = 16
D2 = 64
NCLS = 40


def _sc_agg_kernel(D, KCH, SHIFT):
    NSUPER = EPW // KCH
    MAIN = NBUF * ((NSUPER - NBUF) // NBUF)
    ZR = 640 if KCH >= 640 else 160
    mesh = plsc.VectorSubcoreMesh(core_axis_name="c", subcore_axis_name="s")

    @functools.partial(
        pl.kernel,
        out_type=jax.ShapeDtypeStruct((2, NP, 128), jnp.float32),
        mesh=mesh,
        scratch_types=[
            pltpu.VMEM((EPW,), jnp.int32),
            pltpu.VMEM((EPW,), jnp.int32),
            [pltpu.VMEM((KCH, D), jnp.float32) for _ in range(NBUF)],
            pltpu.VMEM_SHARED((NP, D), jnp.float32),
            [pltpu.SemaphoreType.DMA for _ in range(NBUF)],
        ],
        compiler_params=_SC_PARAMS,
    )
    def kernel(y_hbm, edge_hbm, out_hbm, sidx, didx, rows, acc, sems):
        cid = lax.axis_index("c")
        sid = lax.axis_index("s")
        wid = sid * 2 + cid
        pltpu.sync_copy(edge_hbm.at[0, pl.ds(wid * EPW, EPW)], sidx)
        pltpu.sync_copy(edge_hbm.at[1, pl.ds(wid * EPW, EPW)], didx)

        @pl.loop(0, EPW, step=16)
        def _(r):
            sidx[pl.ds(r, 16)] = sidx[pl.ds(r, 16)] * (1 << SHIFT)

        @pl.loop(0, ZR)
        def _(r):
            @pl.loop(0, D, step=16)
            def _(c2):
                rows[0][r, pl.ds(c2, 16)] = jnp.zeros((16,), jnp.float32)

        for j in range(RPS // ZR):
            pltpu.sync_copy(rows[0].at[pl.ds(0, ZR)],
                            acc.at[pl.ds(sid * RPS + j * ZR, ZR)])

        plsc.subcore_barrier()

        for b in range(NBUF):
            pltpu.async_copy(
                y_hbm.at[sidx.at[pl.ds(b * KCH, KCH)]], rows[b], sems[b])

        @pl.loop(0, MAIN, step=NBUF)
        def _(i):
            for b in range(NBUF):
                pltpu.make_async_copy(
                    y_hbm.at[sidx.at[pl.ds((i + b) * KCH, KCH)]],
                    rows[b], sems[b]).wait()
                pltpu.sync_copy(
                    rows[b], acc.at[didx.at[pl.ds((i + b) * KCH, KCH)]],
                    add=True)
                pltpu.async_copy(
                    y_hbm.at[sidx.at[pl.ds((i + b + NBUF) * KCH, KCH)]],
                    rows[b], sems[b])

        for c in range(MAIN, NSUPER):
            b = c % NBUF
            pltpu.make_async_copy(
                y_hbm.at[sidx.at[pl.ds(c * KCH, KCH)]], rows[b], sems[b]).wait()
            pltpu.sync_copy(
                rows[b], acc.at[didx.at[pl.ds(c * KCH, KCH)]], add=True)
            if c + NBUF < NSUPER:
                pltpu.async_copy(
                    y_hbm.at[sidx.at[pl.ds((c + NBUF) * KCH, KCH)]],
                    rows[b], sems[b])

        plsc.subcore_barrier()
        pltpu.sync_copy(
            acc.at[pl.ds(sid * RPS, RPS)],
            out_hbm.at[cid, pl.ds(sid * RPS, RPS), pl.ds(0, D)],
        )

    return kernel


def _sc_deg_kernel():
    KCH = 2000
    NSUPER = EPW // KCH
    mesh = plsc.VectorSubcoreMesh(core_axis_name="c", subcore_axis_name="s")

    @functools.partial(
        pl.kernel,
        out_type=jax.ShapeDtypeStruct((2, NP, 128), jnp.float32),
        mesh=mesh,
        scratch_types=[
            pltpu.VMEM((EPW,), jnp.int32),
            pltpu.VMEM((KCH, 16), jnp.float32),
            pltpu.VMEM_SHARED((NP, 16), jnp.float32),
            pltpu.SemaphoreType.DMA,
        ],
        compiler_params=_SC_PARAMS,
    )
    def kernel(edge_hbm, out_hbm, didx, vals, acc, sem):
        cid = lax.axis_index("c")
        sid = lax.axis_index("s")
        wid = sid * 2 + cid
        pltpu.sync_copy(edge_hbm.at[1, pl.ds(wid * EPW, EPW)], didx)

        @pl.loop(0, RPS)
        def _(r):
            vals[r, pl.ds(0, 16)] = jnp.zeros((16,), jnp.float32)

        pltpu.sync_copy(vals.at[pl.ds(0, RPS)], acc.at[pl.ds(sid * RPS, RPS)])

        @pl.loop(0, KCH)
        def _(r):
            vals[r, pl.ds(0, 16)] = jnp.full((16,), 1.0, jnp.float32)

        plsc.subcore_barrier()

        @pl.loop(0, NSUPER)
        def _(i):
            pltpu.sync_copy(vals, acc.at[didx.at[pl.ds(i * KCH, KCH)]],
                            add=True)

        plsc.subcore_barrier()
        pltpu.sync_copy(
            acc.at[pl.ds(sid * RPS, RPS)],
            out_hbm.at[cid, pl.ds(sid * RPS, RPS), pl.ds(0, 16)],
        )

    return kernel


def _tc_layer1(x_pad, W1, degacc):

    def body(x_ref, w_ref, d_ref, y1_ref, dinv_ref):
        d = d_ref[...]
        dinv16 = lax.rsqrt(d[0, :, :D1] + d[1, :, :D1] + 1.0)
        xw = jnp.dot(x_ref[...], w_ref[...], preferred_element_type=jnp.float32)
        y1_ref[:, :D1] = xw * dinv16
        dinv_ref[...] = dinv16

    return pl.pallas_call(
        body,
        out_shape=(
            jax.ShapeDtypeStruct((NP, 128), jnp.float32),
            jax.ShapeDtypeStruct((NP, D1), jnp.float32),
        ),
    )(x_pad, W1, degacc)


def _tc_layer2(agg1, y1f, dinv16, b1, W2p):

    def body(a_ref, y1_ref, dinv_ref, b1_ref, w2_ref, y2_ref):
        a = a_ref[...]
        dinv16 = dinv_ref[...]
        s = (a[0, :, :D1] + a[1, :, :D1] + y1_ref[:, :D1]) * dinv16
        h = jnp.maximum(s + b1_ref[...], 0.0)
        y2 = jnp.dot(h, w2_ref[...], preferred_element_type=jnp.float32)
        y2_ref[:, :D2] = y2 * dinv16[:, 0:1]

    return pl.pallas_call(
        body,
        out_shape=jax.ShapeDtypeStruct((NP, 128), jnp.float32),
    )(agg1, y1f, dinv16, b1, W2p)


def _tc_final(agg2, y2f, dinv16, b2):

    def body(a_ref, y2_ref, dinv_ref, b2_ref, o_ref):
        a = a_ref[...]
        t = a[0, :N, :NCLS] + a[1, :N, :NCLS] + y2_ref[:N, :NCLS]
        o = t * dinv_ref[:N, 0:1] + b2_ref[...]
        m = jnp.max(o, axis=1, keepdims=True)
        e = jnp.exp(o - m)
        lse = jnp.log(jnp.sum(e, axis=1, keepdims=True))
        o_ref[...] = o - m - lse

    return pl.pallas_call(
        body,
        out_shape=jax.ShapeDtypeStruct((N, NCLS), jnp.float32),
    )(agg2, y2f, dinv16, b2)


def kernel(x, edge_index, W1, b1, W2, b2):
    edges = edge_index.astype(jnp.int32)
    x_pad = jnp.pad(x, ((0, NP - N), (0, 0)))
    b1r = b1.reshape(1, D1)
    W2p = jnp.pad(W2, ((0, 0), (0, D2 - NCLS)))
    b2r = b2.reshape(1, NCLS)

    degacc = _sc_deg_kernel()(edges)
    y1f, dinv16 = _tc_layer1(x_pad, W1, degacc)
    agg1 = _sc_agg_kernel(D1, 2000, 3)(y1f.reshape(8 * NP, 16), edges)
    y2f = _tc_layer2(agg1, y1f, dinv16, b1r, W2p)
    agg2 = _sc_agg_kernel(D2, 400, 1)(y2f.reshape(2 * NP, 64), edges)
    return _tc_final(agg2, y2f, dinv16, b2r)

# --- scband reference (transcript-rebuilt; emitter-appended) ---
"""Pipeline reference for scband-gcn-simple-31104153158271 (READ-ONLY COPY).

The authoritative reference and input builder live on the scoring server;
editing this copy changes nothing except your own understanding.
"""

import jax, jax.numpy as jnp
import numpy as np

N_NODES = 10000
N_EDGES = 320000
D_FEAT = 128
HIDDEN = 16
N_CLASS = 40


def gcn_conv(x, edge_index, W, b, num_nodes):
    # Linear transform first (PyG GCNConv behavior)
    xw = x @ W
    src = edge_index[0]
    dst = edge_index[1]
    # add self loops
    loop = jnp.arange(num_nodes, dtype=edge_index.dtype)
    src = jnp.concatenate([src, loop])
    dst = jnp.concatenate([dst, loop])
    # symmetric normalization D^{-1/2} A_hat D^{-1/2}
    ones = jnp.ones(src.shape[0], dtype=xw.dtype)
    deg = jax.ops.segment_sum(ones, dst, num_segments=num_nodes)
    dinv = jnp.where(deg > 0, 1.0 / jnp.sqrt(deg), 0.0)
    norm = dinv[src] * dinv[dst]
    # gather, scale, scatter-add
    msg = xw[src] * norm[:, None]
    out = jax.ops.segment_sum(msg, dst, num_segments=num_nodes)
    return out + b


def setup_inputs(seed: int = 0) -> dict:
    key = jax.random.key(seed)
    k1, k2, k3, k4, k5, k6 = jax.random.split(key, 6)
    x = jax.random.normal(k1, (N_NODES, D_FEAT), dtype=jnp.float32)
    edge_index = jax.random.randint(k2, (2, N_EDGES), 0, N_NODES, dtype=jnp.int64)
    # glorot-style init for GCN layer weights
    s1 = float(np.sqrt(6.0 / (D_FEAT + HIDDEN)))
    W1 = jax.random.uniform(k3, (D_FEAT, HIDDEN), dtype=jnp.float32, minval=-s1, maxval=s1)
    b1 = jnp.zeros((HIDDEN,), dtype=jnp.float32)
    s2 = float(np.sqrt(6.0 / (HIDDEN + N_CLASS)))
    W2 = jax.random.uniform(k4, (HIDDEN, N_CLASS), dtype=jnp.float32, minval=-s2, maxval=s2)
    b2 = jnp.zeros((N_CLASS,), dtype=jnp.float32)
    return {"x": x, "edge_index": edge_index, "W1": W1, "b1": b1, "W2": W2, "b2": b2}


def reference(x, edge_index, W1, b1, W2, b2):
    num_nodes = x.shape[0]
    h = jax.nn.relu(gcn_conv(x, edge_index, W1, b1, num_nodes))
    # dropout is a no-op in eval mode (training=False)
    h = gcn_conv(h, edge_index, W2, b2, num_nodes)
    return jax.nn.log_softmax(h, axis=1)

if __name__ == "__main__":
    import jax
    _d = setup_inputs()
    print(jax.jit(kernel)(*tuple(_d.values())))

</pallas_src>

<mosaic_0001>
#map = affine_map<(d0, d1) -> (0, 0)>
#map1 = affine_map<(d0, d1) -> (0, 0, 0)>
module attributes {stable_mosaic.version = 14 : i64} {
  func.func @kernel(%arg0: i32, %arg1: i32, %arg2: memref<81920x16xf32, #tpu.memory_space<hbm>>, %arg3: memref<2x320000xi32, #tpu.memory_space<hbm>>, %arg4: memref<2x10240x128xf32, #tpu.memory_space<hbm>>, %arg5: memref<10000xi32, #tpu.memory_space<vmem>>, %arg6: memref<10000xi32, #tpu.memory_space<vmem>>, %arg7: memref<2000x16xf32, #tpu.memory_space<vmem>>, %arg8: memref<2000x16xf32, #tpu.memory_space<vmem>>, %arg9: memref<10240x16xf32, #tpu.memory_space<vmem_shared>>, %arg10: memref<!tpu.dma_semaphore, #tpu.memory_space<semaphore_mem>>, %arg11: memref<!tpu.dma_semaphore, #tpu.memory_space<semaphore_mem>>) attributes {dimension_semantics = [#tpu.dimension_semantics<core_parallel>, #tpu.dimension_semantics<subcore_parallel>], iteration_bounds = array<i64: 2, 16>, scalar_prefetch = 0 : i64, scratch_operands = 7 : i64, tpu.core_type = #tpu.core_type<sc_vector_subcore>, window_params = [{transform_indices = #map}, {transform_indices = #map}, {transform_indices = #map1}]} {
    %mul3A = arith.constant 2 : i32
    %mul3A_0 = arith.muli %arg1, %mul3A : i32
    %add3A = arith.addi %mul3A_0, %arg0 : i32
    %mul3A_1 = arith.constant 10000 : i32
    %mul3A_2 = arith.muli %add3A, %mul3A_1 : i32
    %run_scoped3A = arith.constant 0 : i32
    "tpu.region"() ({
      %run_scoped3A_102 = tpu.sem_alloc : memref<!tpu.dma_semaphore, #tpu.memory_space<semaphore_mem>>
      %dma_start3A_103 = tpu.memref_slice %arg3[%run_scoped3A, %mul3A_2] : memref<2x320000xi32, #tpu.memory_space<hbm>> -> memref<1x10000xi32, #tpu.memory_space<hbm>>
      %dma_start3A_104 = tpu.memref_squeeze %dma_start3A_103 : memref<1x10000xi32, #tpu.memory_space<hbm>> -> memref<10000xi32, #tpu.memory_space<hbm>>
      %dma_start3A_105 = tpu.memref_slice %arg3[%run_scoped3A, %mul3A_2] : memref<2x320000xi32, #tpu.memory_space<hbm>> -> memref<1x10000xi32, #tpu.memory_space<hbm>>
      %dma_start3A_106 = tpu.memref_squeeze %dma_start3A_105 : memref<1x10000xi32, #tpu.memory_space<hbm>> -> memref<10000xi32, #tpu.memory_space<hbm>>
      tpu.enqueue_dma source(%dma_start3A_106 : memref<10000xi32, #tpu.memory_space<hbm>>) target(%arg5 : memref<10000xi32, #tpu.memory_space<vmem>>) target_semaphore(%run_scoped3A_102 : memref<!tpu.dma_semaphore, #tpu.memory_space<semaphore_mem>>)
      %dma_wait3A_107 = tpu.memref_slice %arg3[%run_scoped3A, %mul3A_2] : memref<2x320000xi32, #tpu.memory_space<hbm>> -> memref<1x10000xi32, #tpu.memory_space<hbm>>
      %dma_wait3A_108 = tpu.memref_squeeze %dma_wait3A_107 : memref<1x10000xi32, #tpu.memory_space<hbm>> -> memref<10000xi32, #tpu.memory_space<hbm>>
      %dma_wait3A_109 = tpu.memref_slice %arg3[%run_scoped3A, %mul3A_2] : memref<2x320000xi32, #tpu.memory_space<hbm>> -> memref<1x10000xi32, #tpu.memory_space<hbm>>
      %dma_wait3A_110 = tpu.memref_squeeze %dma_wait3A_109 : memref<1x10000xi32, #tpu.memory_space<hbm>> -> memref<10000xi32, #tpu.memory_space<hbm>>
      tpu.wait_dma2 semaphore(%run_scoped3A_102 : memref<!tpu.dma_semaphore, #tpu.memory_space<semaphore_mem>>) src(%dma_wait3A_110 : memref<10000xi32, #tpu.memory_space<hbm>>) dst(%arg5 : memref<10000xi32, #tpu.memory_space<vmem>>)
      tpu.yield
    }) : () -> ()
    %mul3A_3 = arith.constant 10000 : i32
    %mul3A_4 = arith.muli %add3A, %mul3A_3 : i32
    %run_scoped3A_5 = arith.constant 1 : i32
    "tpu.region"() ({
      %run_scoped3A_102 = tpu.sem_alloc : memref<!tpu.dma_semaphore, #tpu.memory_space<semaphore_mem>>
      %dma_start3A_103 = tpu.memref_slice %arg3[%run_scoped3A_5, %mul3A_4] : memref<2x320000xi32, #tpu.memory_space<hbm>> -> memref<1x10000xi32, #tpu.memory_space<hbm>>
      %dma_start3A_104 = tpu.memref_squeeze %dma_start3A_103 : memref<1x10000xi32, #tpu.memory_space<hbm>> -> memref<10000xi32, #tpu.memory_space<hbm>>
      %dma_start3A_105 = tpu.memref_slice %arg3[%run_scoped3A_5, %mul3A_4] : memref<2x320000xi32, #tpu.memory_space<hbm>> -> memref<1x10000xi32, #tpu.memory_space<hbm>>
      %dma_start3A_106 = tpu.memref_squeeze %dma_start3A_105 : memref<1x10000xi32, #tpu.memory_space<hbm>> -> memref<10000xi32, #tpu.memory_space<hbm>>
      tpu.enqueue_dma source(%dma_start3A_106 : memref<10000xi32, #tpu.memory_space<hbm>>) target(%arg6 : memref<10000xi32, #tpu.memory_space<vmem>>) target_semaphore(%run_scoped3A_102 : memref<!tpu.dma_semaphore, #tpu.memory_space<semaphore_mem>>)
      %dma_wait3A_107 = tpu.memref_slice %arg3[%run_scoped3A_5, %mul3A_4] : memref<2x320000xi32, #tpu.memory_space<hbm>> -> memref<1x10000xi32, #tpu.memory_space<hbm>>
      %dma_wait3A_108 = tpu.memref_squeeze %dma_wait3A_107 : memref<1x10000xi32, #tpu.memory_space<hbm>> -> memref<10000xi32, #tpu.memory_space<hbm>>
      %dma_wait3A_109 = tpu.memref_slice %arg3[%run_scoped3A_5, %mul3A_4] : memref<2x320000xi32, #tpu.memory_space<hbm>> -> memref<1x10000xi32, #tpu.memory_space<hbm>>
      %dma_wait3A_110 = tpu.memref_squeeze %dma_wait3A_109 : memref<1x10000xi32, #tpu.memory_space<hbm>> -> memref<10000xi32, #tpu.memory_space<hbm>>
      tpu.wait_dma2 semaphore(%run_scoped3A_102 : memref<!tpu.dma_semaphore, #tpu.memory_space<semaphore_mem>>) src(%dma_wait3A_110 : memref<10000xi32, #tpu.memory_space<hbm>>) dst(%arg6 : memref<10000xi32, #tpu.memory_space<vmem>>)
      tpu.yield
    }) : () -> ()
    %scan3A = arith.constant 0 : i32
    %scan3A_6 = arith.constant 625 : i32
    %scan3A_7 = arith.addi %scan3A, %scan3A_6 : i32
    %scan3A_8 = arith.constant 1 : i32
    scf.for %scan3A_102 = %scan3A to %scan3A_7 step %scan3A_8  : i32 {
      %mul3A_103 = arith.constant 16 : i32
      %mul3A_104 = arith.muli %scan3A_102, %mul3A_103 : i32
      %add3A_105 = arith.constant 0 : i32
      %add3A_106 = arith.addi %add3A_105, %mul3A_104 : i32
      %get3A = arith.index_cast %add3A_106 : i32 to index
      %get3A_107 = tpu.vector_load %arg5[%get3A] {strides = array<i32>} : memref<10000xi32, #tpu.memory_space<vmem>>, vector<16xi32>,
      %get3A_108 = vector.shape_cast %get3A_107 : vector<16xi32> to vector<16xi32>
      %mul3A_109 = arith.constant 8 : i32
      %mul3A_110 = vector.broadcast %mul3A_109 : i32 to vector<16xi32>
      %mul3A_111 = arith.muli %get3A_108, %mul3A_110 : vector<16xi32>
      %swap3A = arith.index_cast %add3A_106 : i32 to index
      %swap3A_112 = tpu.vector_load %arg5[%swap3A] {strides = array<i32>} : memref<10000xi32, #tpu.memory_space<vmem>>, vector<16xi32>,
      %swap3A_113 = vector.shape_cast %swap3A_112 : vector<16xi32> to vector<16xi32>
      %swap3A_114 = vector.shape_cast %mul3A_111 : vector<16xi32> to vector<16xi32>
      tpu.vector_store %arg5[%swap3A], %swap3A_114 {strides = array<i32>} : memref<10000xi32, #tpu.memory_space<vmem>>, vector<16xi32>,
    }
    %scan3A_9 = arith.constant 625 : i32
    %scan3A_10 = arith.constant 0 : i32
    %scan3A_11 = arith.constant 640 : i32
    %scan3A_12 = arith.addi %scan3A_10, %scan3A_11 : i32
    %scan3A_13 = arith.constant 1 : i32
    scf.for %scan3A_102 = %scan3A_10 to %scan3A_12 step %scan3A_13  : i32 {
      %mul3A_103 = arith.constant 1 : i32
      %mul3A_104 = arith.muli %scan3A_102, %mul3A_103 : i32
      %add3A_105 = arith.constant 0 : i32
      %add3A_106 = arith.addi %add3A_105, %mul3A_104 : i32
      %scan3A_107 = arith.constant 0 : i32
      %mul3A_108 = arith.constant 16 : i32
      %mul3A_109 = arith.muli %scan3A_107, %mul3A_108 : i32
      %add3A_110 = arith.constant 0 : i32
      %add3A_111 = arith.addi %add3A_110, %mul3A_109 : i32
      %broadcast_in_dim3A = arith.constant 0.000000e+00 : f32
      %broadcast_in_dim3A_112 = vector.broadcast %broadcast_in_dim3A : f32 to vector<16xf32>
      %swap3A = arith.index_cast %add3A_106 : i32 to index
      %swap3A_113 = arith.index_cast %add3A_111 : i32 to index
      %swap3A_114 = tpu.vector_load %arg7[%swap3A, %swap3A_113] {strides = array<i32>} : memref<2000x16xf32, #tpu.memory_space<vmem>>, vector<1x16xf32>,
      %swap3A_115 = vector.shape_cast %swap3A_114 : vector<1x16xf32> to vector<16xf32>
      %swap3A_116 = vector.shape_cast %broadcast_in_dim3A_112 : vector<16xf32> to vector<1x16xf32>
      tpu.vector_store %arg7[%swap3A, %swap3A_113], %swap3A_116 {strides = array<i32>} : memref<2000x16xf32, #tpu.memory_space<vmem>>, vector<1x16xf32>,
      %scan3A_117 = arith.constant 1 : i32
    }
    %scan3A_14 = arith.constant 640 : i32
    %mul3A_15 = arith.constant 640 : i32
    %mul3A_16 = arith.muli %arg1, %mul3A_15 : i32
    %add3A_17 = arith.constant 0 : i32
    %add3A_18 = arith.addi %mul3A_16, %add3A_17 : i32
    "tpu.region"() ({
      %run_scoped3A_102 = tpu.sem_alloc : memref<!tpu.dma_semaphore, #tpu.memory_space<semaphore_mem>>
      %dma_start3A_103 = arith.constant 0 : i32
      %dma_start3A_104 = arith.constant 0 : i32
      %dma_start3A_105 = tpu.memref_slice %arg7[%dma_start3A_103, %dma_start3A_104] : memref<2000x16xf32, #tpu.memory_space<vmem>> -> memref<640x16xf32, #tpu.memory_space<vmem>>
      %dma_start3A_106 = arith.constant 0 : i32
      %dma_start3A_107 = tpu.memref_slice %arg9[%add3A_18, %dma_start3A_106] : memref<10240x16xf32, #tpu.memory_space<vmem_shared>> -> memref<640x16xf32, #tpu.memory_space<vmem_shared>>
      %dma_start3A_108 = arith.constant 0 : i32
      %dma_start3A_109 = tpu.memref_slice %arg9[%add3A_18, %dma_start3A_108] : memref<10240x16xf32, #tpu.memory_space<vmem_shared>> -> memref<640x16xf32, #tpu.memory_space<vmem_shared>>
      %dma_start3A_110 = arith.constant 0 : i32
      %dma_start3A_111 = arith.constant 0 : i32
      %dma_start3A_112 = tpu.memref_slice %arg7[%dma_start3A_110, %dma_start3A_111] : memref<2000x16xf32, #tpu.memory_space<vmem>> -> memref<640x16xf32, #tpu.memory_space<vmem>>
      tpu.enqueue_dma source(%dma_start3A_112 : memref<640x16xf32, #tpu.memory_space<vmem>>) target(%dma_start3A_109 : memref<640x16xf32, #tpu.memory_space<vmem_shared>>) target_semaphore(%run_scoped3A_102 : memref<!tpu.dma_semaphore, #tpu.memory_space<semaphore_mem>>)
      %dma_wait3A_113 = arith.constant 0 : i32
      %dma_wait3A_114 = arith.constant 0 : i32
      %dma_wait3A_115 = tpu.memref_slice %arg7[%dma_wait3A_113, %dma_wait3A_114] : memref<2000x16xf32, #tpu.memory_space<vmem>> -> memref<640x16xf32, #tpu.memory_space<vmem>>
      %dma_wait3A_116 = arith.constant 0 : i32
      %dma_wait3A_117 = tpu.memref_slice %arg9[%add3A_18, %dma_wait3A_116] : memref<10240x16xf32, #tpu.memory_space<vmem_shared>> -> memref<640x16xf32, #tpu.memory_space<vmem_shared>>
      %dma_wait3A_118 = arith.constant 0 : i32
      %dma_wait3A_119 = tpu.memref_slice %arg9[%add3A_18, %dma_wait3A_118] : memref<10240x16xf32, #tpu.memory_space<vmem_shared>> -> memref<640x16xf32, #tpu.memory_space<vmem_shared>>
      %dma_wait3A_120 = arith.constant 0 : i32
      %dma_wait3A_121 = arith.constant 0 : i32
      %dma_wait3A_122 = tpu.memref_slice %arg7[%dma_wait3A_120, %dma_wait3A_121] : memref<2000x16xf32, #tpu.memory_space<vmem>> -> memref<640x16xf32, #tpu.memory_space<vmem>>
      tpu.wait_dma2 semaphore(%run_scoped3A_102 : memref<!tpu.dma_semaphore, #tpu.memory_space<semaphore_mem>>) src(%dma_wait3A_122 : memref<640x16xf32, #tpu.memory_space<vmem>>) dst(%dma_wait3A_119 : memref<640x16xf32, #tpu.memory_space<vmem_shared>>)
      tpu.yield
    }) : () -> ()
    %barrier3A = arith.constant 0 : index
    tpu.barrier barrier_id(%barrier3A)
    %dma_start3A = arith.constant 0 : i32
    %dma_start3A_19 = tpu.memref_slice %arg5[%dma_start3A] : memref<10000xi32, #tpu.memory_space<vmem>> -> memref<2000xi32, #tpu.memory_space<vmem>>
    %dma_start3A_20 = arith.constant 0 : i32
    %dma_start3A_21 = arith.constant 0 : i32
    %dma_start3A_22 = tpu.memref_slice %arg2[%dma_start3A_20, %dma_start3A_21] : memref<81920x16xf32, #tpu.memory_space<hbm>> -> memref<81920x16xf32, #tpu.memory_space<hbm>>
    tpu.enqueue_indirect_dma source(%dma_start3A_22 : memref<81920x16xf32, #tpu.memory_space<hbm>>) target(%arg7 : memref<2000x16xf32, #tpu.memory_space<vmem>>) offsets(%dma_start3A_19 : memref<2000xi32, #tpu.memory_space<vmem>>) semaphore(%arg10 : memref<!tpu.dma_semaphore, #tpu.memory_space<semaphore_mem>>)
    %dma_start3A_23 = arith.constant 2000 : i32
    %dma_start3A_24 = tpu.memref_slice %arg5[%dma_start3A_23] : memref<10000xi32, #tpu.memory_space<vmem>> -> memref<2000xi32, #tpu.memory_space<vmem>>
    %dma_start3A_25 = arith.constant 0 : i32
    %dma_start3A_26 = arith.constant 0 : i32
    %dma_start3A_27 = tpu.memref_slice %arg2[%dma_start3A_25, %dma_start3A_26] : memref<81920x16xf32, #tpu.memory_space<hbm>> -> memref<81920x16xf32, #tpu.memory_space<hbm>>
    tpu.enqueue_indirect_dma source(%dma_start3A_27 : memref<81920x16xf32, #tpu.memory_space<hbm>>) target(%arg8 : memref<2000x16xf32, #tpu.memory_space<vmem>>) offsets(%dma_start3A_24 : memref<2000xi32, #tpu.memory_space<vmem>>) semaphore(%arg11 : memref<!tpu.dma_semaphore, #tpu.memory_space<semaphore_mem>>)
    %scan3A_28 = arith.constant 0 : i32
    %mul3A_29 = arith.constant 2 : i32
    %mul3A_30 = arith.muli %scan3A_28, %mul3A_29 : i32
    %add3A_31 = arith.constant 0 : i32
    %add3A_32 = arith.addi %add3A_31, %mul3A_30 : i32
    %add3A_33 = arith.constant 0 : i32
    %add3A_34 = arith.addi %add3A_32, %add3A_33 : i32
    %mul3A_35 = arith.constant 2000 : i32
    %mul3A_36 = arith.muli %add3A_34, %mul3A_35 : i32
    %dma_wait3A = tpu.memref_slice %arg5[%mul3A_36] : memref<10000xi32, #tpu.memory_space<vmem>> -> memref<2000xi32, #tpu.memory_space<vmem>>
    %dma_wait3A_37 = arith.constant 0 : i32
    %dma_wait3A_38 = arith.constant 0 : i32
    %dma_wait3A_39 = tpu.memref_slice %arg2[%dma_wait3A_37, %dma_wait3A_38] : memref<81920x16xf32, #tpu.memory_space<hbm>> -> memref<81920x16xf32, #tpu.memory_space<hbm>>
    tpu.wait_indirect_dma semaphore(%arg10 : memref<!tpu.dma_semaphore, #tpu.memory_space<semaphore_mem>>) src(%dma_wait3A_39 : memref<81920x16xf32, #tpu.memory_space<hbm>>) dst(%arg7 : memref<2000x16xf32, #tpu.memory_space<vmem>>)
    %add3A_40 = arith.constant 0 : i32
    %add3A_41 = arith.addi %add3A_32, %add3A_40 : i32
    %mul3A_42 = arith.constant 2000 : i32
    %mul3A_43 = arith.muli %add3A_41, %mul3A_42 : i32
    "tpu.region"() ({
      %run_scoped3A_102 = tpu.sem_alloc : memref<!tpu.dma_semaphore, #tpu.memory_space<semaphore_mem>>
      %dma_start3A_103 = tpu.memref_slice %arg6[%mul3A_43] : memref<10000xi32, #tpu.memory_space<vmem>> -> memref<2000xi32, #tpu.memory_space<vmem>>
      %dma_start3A_104 = arith.constant 0 : i32
      %dma_start3A_105 = arith.constant 0 : i32
      %dma_start3A_106 = tpu.memref_slice %arg9[%dma_start3A_104, %dma_start3A_105] : memref<10240x16xf32, #tpu.memory_space<vmem_shared>> -> memref<10240x16xf32, #tpu.memory_space<vmem_shared>>
      tpu.enqueue_indirect_dma source(%arg7 : memref<2000x16xf32, #tpu.memory_space<vmem>>) target(%dma_start3A_106 : memref<10240x16xf32, #tpu.memory_space<vmem_shared>>) offsets(%dma_start3A_103 : memref<2000xi32, #tpu.memory_space<vmem>>) semaphore(%run_scoped3A_102 : memref<!tpu.dma_semaphore, #tpu.memory_space<semaphore_mem>>) {add = true}
      %dma_wait3A_107 = tpu.memref_slice %arg6[%mul3A_43] : memref<10000xi32, #tpu.memory_space<vmem>> -> memref<2000xi32, #tpu.memory_space<vmem>>
      %dma_wait3A_108 = arith.constant 0 : i32
      %dma_wait3A_109 = arith.constant 0 : i32
      %dma_wait3A_110 = tpu.memref_slice %arg9[%dma_wait3A_108, %dma_wait3A_109] : memref<10240x16xf32, #tpu.memory_space<vmem_shared>> -> memref<10240x16xf32, #tpu.memory_space<vmem_shared>>
      tpu.wait_indirect_dma semaphore(%run_scoped3A_102 : memref<!tpu.dma_semaphore, #tpu.memory_space<semaphore_mem>>) src(%arg7 : memref<2000x16xf32, #tpu.memory_space<vmem>>) dst(%dma_wait3A_110 : memref<10240x16xf32, #tpu.memory_space<vmem_shared>>)
      tpu.yield
    }) : () -> ()
    %add3A_44 = arith.constant 0 : i32
    %add3A_45 = arith.addi %add3A_32, %add3A_44 : i32
    %add3A_46 = arith.constant 2 : i32
    %add3A_47 = arith.addi %add3A_45, %add3A_46 : i32
    %mul3A_48 = arith.constant 2000 : i32
    %mul3A_49 = arith.muli %add3A_47, %mul3A_48 : i32
    %dma_start3A_50 = tpu.memref_slice %arg5[%mul3A_49] : memref<10000xi32, #tpu.memory_space<vmem>> -> memref<2000xi32, #tpu.memory_space<vmem>>
    %dma_start3A_51 = arith.constant 0 : i32
    %dma_start3A_52 = arith.constant 0 : i32
    %dma_start3A_53 = tpu.memref_slice %arg2[%dma_start3A_51, %dma_start3A_52] : memref<81920x16xf32, #tpu.memory_space<hbm>> -> memref<81920x16xf32, #tpu.memory_space<hbm>>
    tpu.enqueue_indirect_dma source(%dma_start3A_53 : memref<81920x16xf32, #tpu.memory_space<hbm>>) target(%arg7 : memref<2000x16xf32, #tpu.memory_space<vmem>>) offsets(%dma_start3A_50 : memref<2000xi32, #tpu.memory_space<vmem>>) semaphore(%arg10 : memref<!tpu.dma_semaphore, #tpu.memory_space<semaphore_mem>>)
    %add3A_54 = arith.constant 1 : i32
    %add3A_55 = arith.addi %add3A_32, %add3A_54 : i32
    %mul3A_56 = arith.constant 2000 : i32
    %mul3A_57 = arith.muli %add3A_55, %mul3A_56 : i32
    %dma_wait3A_58 = tpu.memref_slice %arg5[%mul3A_57] : memref<10000xi32, #tpu.memory_space<vmem>> -> memref<2000xi32, #tpu.memory_space<vmem>>
    %dma_wait3A_59 = arith.constant 0 : i32
    %dma_wait3A_60 = arith.constant 0 : i32
    %dma_wait3A_61 = tpu.memref_slice %arg2[%dma_wait3A_59, %dma_wait3A_60] : memref<81920x16xf32, #tpu.memory_space<hbm>> -> memref<81920x16xf32, #tpu.memory_space<hbm>>
    tpu.wait_indirect_dma semaphore(%arg11 : memref<!tpu.dma_semaphore, #tpu.memory_space<semaphore_mem>>) src(%dma_wait3A_61 : memref<81920x16xf32, #tpu.memory_space<hbm>>) dst(%arg8 : memref<2000x16xf32, #tpu.memory_space<vmem>>)
    %add3A_62 = arith.constant 1 : i32
    %add3A_63 = arith.addi %add3A_32, %add3A_62 : i32
    %mul3A_64 = arith.constant 2000 : i32
    %mul3A_65 = arith.muli %add3A_63, %mul3A_64 : i32
    "tpu.region"() ({
      %run_scoped3A_102 = tpu.sem_alloc : memref<!tpu.dma_semaphore, #tpu.memory_space<semaphore_mem>>
      %dma_start3A_103 = tpu.memref_slice %arg6[%mul3A_65] : memref<10000xi32, #tpu.memory_space<vmem>> -> memref<2000xi32, #tpu.memory_space<vmem>>
      %dma_start3A_104 = arith.constant 0 : i32
      %dma_start3A_105 = arith.constant 0 : i32
      %dma_start3A_106 = tpu.memref_slice %arg9[%dma_start3A_104, %dma_start3A_105] : memref<10240x16xf32, #tpu.memory_space<vmem_shared>> -> memref<10240x16xf32, #tpu.memory_space<vmem_shared>>
      tpu.enqueue_indirect_dma source(%arg8 : memref<2000x16xf32, #tpu.memory_space<vmem>>) target(%dma_start3A_106 : memref<10240x16xf32, #tpu.memory_space<vmem_shared>>) offsets(%dma_start3A_103 : memref<2000xi32, #tpu.memory_space<vmem>>) semaphore(%run_scoped3A_102 : memref<!tpu.dma_semaphore, #tpu.memory_space<semaphore_mem>>) {add = true}
      %dma_wait3A_107 = tpu.memref_slice %arg6[%mul3A_65] : memref<10000xi32, #tpu.memory_space<vmem>> -> memref<2000xi32, #tpu.memory_space<vmem>>
      %dma_wait3A_108 = arith.constant 0 : i32
      %dma_wait3A_109 = arith.constant 0 : i32
      %dma_wait3A_110 = tpu.memref_slice %arg9[%dma_wait3A_108, %dma_wait3A_109] : memref<10240x16xf32, #tpu.memory_space<vmem_shared>> -> memref<10240x16xf32, #tpu.memory_space<vmem_shared>>
      tpu.wait_indirect_dma semaphore(%run_scoped3A_102 : memref<!tpu.dma_semaphore, #tpu.memory_space<semaphore_mem>>) src(%arg8 : memref<2000x16xf32, #tpu.memory_space<vmem>>) dst(%dma_wait3A_110 : memref<10240x16xf32, #tpu.memory_space<vmem_shared>>)
      tpu.yield
    }) : () -> ()
    %add3A_66 = arith.constant 1 : i32
    %add3A_67 = arith.addi %add3A_32, %add3A_66 : i32
    %add3A_68 = arith.constant 2 : i32
    %add3A_69 = arith.addi %add3A_67, %add3A_68 : i32
    %mul3A_70 = arith.constant 2000 : i32
    %mul3A_71 = arith.muli %add3A_69, %mul3A_70 : i32
    %dma_start3A_72 = tpu.memref_slice %arg5[%mul3A_71] : memref<10000xi32, #tpu.memory_space<vmem>> -> memref<2000xi32, #tpu.memory_space<vmem>>
    %dma_start3A_73 = arith.constant 0 : i32
    %dma_start3A_74 = arith.constant 0 : i32
    %dma_start3A_75 = tpu.memref_slice %arg2[%dma_start3A_73, %dma_start3A_74] : memref<81920x16xf32, #tpu.memory_space<hbm>> -> memref<81920x16xf32, #tpu.memory_space<hbm>>
    tpu.enqueue_indirect_dma source(%dma_start3A_75 : memref<81920x16xf32, #tpu.memory_space<hbm>>) target(%arg8 : memref<2000x16xf32, #tpu.memory_space<vmem>>) offsets(%dma_start3A_72 : memref<2000xi32, #tpu.memory_space<vmem>>) semaphore(%arg11 : memref<!tpu.dma_semaphore, #tpu.memory_space<semaphore_mem>>)
    %scan3A_76 = arith.constant 1 : i32
    %dma_wait3A_77 = arith.constant 4000 : i32
    %dma_wait3A_78 = tpu.memref_slice %arg5[%dma_wait3A_77] : memref<10000xi32, #tpu.memory_space<vmem>> -> memref<2000xi32, #tpu.memory_space<vmem>>
    %dma_wait3A_79 = arith.constant 0 : i32
    %dma_wait3A_80 = arith.constant 0 : i32
    %dma_wait3A_81 = tpu.memref_slice %arg2[%dma_wait3A_79, %dma_wait3A_80] : memref<81920x16xf32, #tpu.memory_space<hbm>> -> memref<81920x16xf32, #tpu.memory_space<hbm>>
    tpu.wait_indirect_dma semaphore(%arg10 : memref<!tpu.dma_semaphore, #tpu.memory_space<semaphore_mem>>) src(%dma_wait3A_81 : memref<81920x16xf32, #tpu.memory_space<hbm>>) dst(%arg7 : memref<2000x16xf32, #tpu.memory_space<vmem>>)
    "tpu.region"() ({
      %run_scoped3A_102 = tpu.sem_alloc : memref<!tpu.dma_semaphore, #tpu.memory_space<semaphore_mem>>
      %dma_start3A_103 = arith.constant 4000 : i32
      %dma_start3A_104 = tpu.memref_slice %arg6[%dma_start3A_103] : memref<10000xi32, #tpu.memory_space<vmem>> -> memref<2000xi32, #tpu.memory_space<vmem>>
      %dma_start3A_105 = arith.constant 0 : i32
      %dma_start3A_106 = arith.constant 0 : i32
      %dma_start3A_107 = tpu.memref_slice %arg9[%dma_start3A_105, %dma_start3A_106] : memref<10240x16xf32, #tpu.memory_space<vmem_shared>> -> memref<10240x16xf32, #tpu.memory_space<vmem_shared>>
      tpu.enqueue_indirect_dma source(%arg7 : memref<2000x16xf32, #tpu.memory_space<vmem>>) target(%dma_start3A_107 : memref<10240x16xf32, #tpu.memory_space<vmem_shared>>) offsets(%dma_start3A_104 : memref<2000xi32, #tpu.memory_space<vmem>>) semaphore(%run_scoped3A_102 : memref<!tpu.dma_semaphore, #tpu.memory_space<semaphore_mem>>) {add = true}
      %dma_wait3A_108 = arith.constant 4000 : i32
      %dma_wait3A_109 = tpu.memref_slice %arg6[%dma_wait3A_108] : memref<10000xi32, #tpu.memory_space<vmem>> -> memref<2000xi32, #tpu.memory_space<vmem>>
      %dma_wait3A_110 = arith.constant 0 : i32
      %dma_wait3A_111 = arith.constant 0 : i32
      %dma_wait3A_112 = tpu.memref_slice %arg9[%dma_wait3A_110, %dma_wait3A_111] : memref<10240x16xf32, #tpu.memory_space<vmem_shared>> -> memref<10240x16xf32, #tpu.memory_space<vmem_shared>>
      tpu.wait_indirect_dma semaphore(%run_scoped3A_102 : memref<!tpu.dma_semaphore, #tpu.memory_space<semaphore_mem>>) src(%arg7 : memref<2000x16xf32, #tpu.memory_space<vmem>>) dst(%dma_wait3A_112 : memref<10240x16xf32, #tpu.memory_space<vmem_shared>>)
      tpu.yield
    }) : () -> ()
    %dma_start3A_82 = arith.constant 8000 : i32
    %dma_start3A_83 = tpu.memref_slice %arg5[%dma_start3A_82] : memref<10000xi32, #tpu.memory_space<vmem>> -> memref<2000xi32, #tpu.memory_space<vmem>>
    %dma_start3A_84 = arith.constant 0 : i32
    %dma_start3A_85 = arith.constant 0 : i32
    %dma_start3A_86 = tpu.memref_slice %arg2[%dma_start3A_84, %dma_start3A_85] : memref<81920x16xf32, #tpu.memory_space<hbm>> -> memref<81920x16xf32, #tpu.memory_space<hbm>>
    tpu.enqueue_indirect_dma source(%dma_start3A_86 : memref<81920x16xf32, #tpu.memory_space<hbm>>) target(%arg7 : memref<2000x16xf32, #tpu.memory_space<vmem>>) offsets(%dma_start3A_83 : memref<2000xi32, #tpu.memory_space<vmem>>) semaphore(%arg10 : memref<!tpu.dma_semaphore, #tpu.memory_space<semaphore_mem>>)
    %dma_wait3A_87 = arith.constant 6000 : i32
    %dma_wait3A_88 = tpu.memref_slice %arg5[%dma_wait3A_87] : memref<10000xi32, #tpu.memory_space<vmem>> -> memref<2000xi32, #tpu.memory_space<vmem>>
    %dma_wait3A_89 = arith.constant 0 : i32
    %dma_wait3A_90 = arith.constant 0 : i32
    %dma_wait3A_91 = tpu.memref_slice %arg2[%dma_wait3A_89, %dma_wait3A_90] : memref<81920x16xf32, #tpu.memory_space<hbm>> -> memref<81920x16xf32, #tpu.memory_space<hbm>>
    tpu.wait_indirect_dma semaphore(%arg11 : memref<!tpu.dma_semaphore, #tpu.memory_space<semaphore_mem>>) src(%dma_wait3A_91 : memref<81920x16xf32, #tpu.memory_space<hbm>>) dst(%arg8 : memref<2000x16xf32, #tpu.memory_space<vmem>>)
    "tpu.region"() ({
      %run_scoped3A_102 = tpu.sem_alloc : memref<!tpu.dma_semaphore, #tpu.memory_space<semaphore_mem>>
      %dma_start3A_103 = arith.constant 6000 : i32
      %dma_start3A_104 = tpu.memref_slice %arg6[%dma_start3A_103] : memref<10000xi32, #tpu.memory_space<vmem>> -> memref<2000xi32, #tpu.memory_space<vmem>>
      %dma_start3A_105 = arith.constant 0 : i32
      %dma_start3A_106 = arith.constant 0 : i32
      %dma_start3A_107 = tpu.memref_slice %arg9[%dma_start3A_105, %dma_start3A_106] : memref<10240x16xf32, #tpu.memory_space<vmem_shared>> -> memref<10240x16xf32, #tpu.memory_space<vmem_shared>>
      tpu.enqueue_indirect_dma source(%arg8 : memref<2000x16xf32, #tpu.memory_space<vmem>>) target(%dma_start3A_107 : memref<10240x16xf32, #tpu.memory_space<vmem_shared>>) offsets(%dma_start3A_104 : memref<2000xi32, #tpu.memory_space<vmem>>) semaphore(%run_scoped3A_102 : memref<!tpu.dma_semaphore, #tpu.memory_space<semaphore_mem>>) {add = true}
      %dma_wait3A_108 = arith.constant 6000 : i32
      %dma_wait3A_109 = tpu.memref_slice %arg6[%dma_wait3A_108] : memref<10000xi32, #tpu.memory_space<vmem>> -> memref<2000xi32, #tpu.memory_space<vmem>>
      %dma_wait3A_110 = arith.constant 0 : i32
      %dma_wait3A_111 = arith.constant 0 : i32
      %dma_wait3A_112 = tpu.memref_slice %arg9[%dma_wait3A_110, %dma_wait3A_111] : memref<10240x16xf32, #tpu.memory_space<vmem_shared>> -> memref<10240x16xf32, #tpu.memory_space<vmem_shared>>
      tpu.wait_indirect_dma semaphore(%run_scoped3A_102 : memref<!tpu.dma_semaphore, #tpu.memory_space<semaphore_mem>>) src(%arg8 : memref<2000x16xf32, #tpu.memory_space<vmem>>) dst(%dma_wait3A_112 : memref<10240x16xf32, #tpu.memory_space<vmem_shared>>)
      tpu.yield
    }) : () -> ()
    %dma_wait3A_92 = arith.constant 8000 : i32
    %dma_wait3A_93 = tpu.memref_slice %arg5[%dma_wait3A_92] : memref<10000xi32, #tpu.memory_space<vmem>> -> memref<2000xi32, #tpu.memory_space<vmem>>
    %dma_wait3A_94 = arith.constant 0 : i32
    %dma_wait3A_95 = arith.constant 0 : i32
    %dma_wait3A_96 = tpu.memref_slice %arg2[%dma_wait3A_94, %dma_wait3A_95] : memref<81920x16xf32, #tpu.memory_space<hbm>> -> memref<81920x16xf32, #tpu.memory_space<hbm>>
    tpu.wait_indirect_dma semaphore(%arg10 : memref<!tpu.dma_semaphore, #tpu.memory_space<semaphore_mem>>) src(%dma_wait3A_96 : memref<81920x16xf32, #tpu.memory_space<hbm>>) dst(%arg7 : memref<2000x16xf32, #tpu.memory_space<vmem>>)
    "tpu.region"() ({
      %run_scoped3A_102 = tpu.sem_alloc : memref<!tpu.dma_semaphore, #tpu.memory_space<semaphore_mem>>
      %dma_start3A_103 = arith.constant 8000 : i32
      %dma_start3A_104 = tpu.memref_slice %arg6[%dma_start3A_103] : memref<10000xi32, #tpu.memory_space<vmem>> -> memref<2000xi32, #tpu.memory_space<vmem>>
      %dma_start3A_105 = arith.constant 0 : i32
      %dma_start3A_106 = arith.constant 0 : i32
      %dma_start3A_107 = tpu.memref_slice %arg9[%dma_start3A_105, %dma_start3A_106] : memref<10240x16xf32, #tpu.memory_space<vmem_shared>> -> memref<10240x16xf32, #tpu.memory_space<vmem_shared>>
      tpu.enqueue_indirect_dma source(%arg7 : memref<2000x16xf32, #tpu.memory_space<vmem>>) target(%dma_start3A_107 : memref<10240x16xf32, #tpu.memory_space<vmem_shared>>) offsets(%dma_start3A_104 : memref<2000xi32, #tpu.memory_space<vmem>>) semaphore(%run_scoped3A_102 : memref<!tpu.dma_semaphore, #tpu.memory_space<semaphore_mem>>) {add = true}
      %dma_wait3A_108 = arith.constant 8000 : i32
      %dma_wait3A_109 = tpu.memref_slice %arg6[%dma_wait3A_108] : memref<10000xi32, #tpu.memory_space<vmem>> -> memref<2000xi32, #tpu.memory_space<vmem>>
      %dma_wait3A_110 = arith.constant 0 : i32
      %dma_wait3A_111 = arith.constant 0 : i32
      %dma_wait3A_112 = tpu.memref_slice %arg9[%dma_wait3A_110, %dma_wait3A_111] : memref<10240x16xf32, #tpu.memory_space<vmem_shared>> -> memref<10240x16xf32, #tpu.memory_space<vmem_shared>>
      tpu.wait_indirect_dma semaphore(%run_scoped3A_102 : memref<!tpu.dma_semaphore, #tpu.memory_space<semaphore_mem>>) src(%arg7 : memref<2000x16xf32, #tpu.memory_space<vmem>>) dst(%dma_wait3A_112 : memref<10240x16xf32, #tpu.memory_space<vmem_shared>>)
      tpu.yield
    }) : () -> ()
    %barrier3A_97 = arith.constant 0 : index
    tpu.barrier barrier_id(%barrier3A_97)
    %mul3A_98 = arith.constant 640 : i32
    %mul3A_99 = arith.muli %arg1, %mul3A_98 : i32
    %mul3A_100 = arith.constant 640 : i32
    %mul3A_101 = arith.muli %arg1, %mul3A_100 : i32
    "tpu.region"() ({
      %run_scoped3A_102 = tpu.sem_alloc : memref<!tpu.dma_semaphore, #tpu.memory_space<semaphore_mem>>
      %dma_start3A_103 = arith.constant 0 : i32
      %dma_start3A_104 = tpu.memref_slice %arg4[%arg0, %mul3A_101, %dma_start3A_103] : memref<2x10240x128xf32, #tpu.memory_space<hbm>> -> memref<1x640x16xf32, #tpu.memory_space<hbm>>
      %dma_start3A_105 = tpu.memref_squeeze %dma_start3A_104 : memref<1x640x16xf32, #tpu.memory_space<hbm>> -> memref<640x16xf32, #tpu.memory_space<hbm>>
      %dma_start3A_106 = arith.constant 0 : i32
      %dma_start3A_107 = tpu.memref_slice %arg9[%mul3A_99, %dma_start3A_106] : memref<10240x16xf32, #tpu.memory_space<vmem_shared>> -> memref<640x16xf32, #tpu.memory_space<vmem_shared>>
      tpu.enqueue_dma source(%dma_start3A_107 : memref<640x16xf32, #tpu.memory_space<vmem_shared>>) target(%dma_start3A_105 : memref<640x16xf32, #tpu.memory_space<hbm>>) target_semaphore(%run_scoped3A_102 : memref<!tpu.dma_semaphore, #tpu.memory_space<semaphore_mem>>)
      %dma_wait3A_108 = arith.constant 0 : i32
      %dma_wait3A_109 = tpu.memref_slice %arg4[%arg0, %mul3A_101, %dma_wait3A_108] : memref<2x10240x128xf32, #tpu.memory_space<hbm>> -> memref<1x640x16xf32, #tpu.memory_space<hbm>>
      %dma_wait3A_110 = tpu.memref_squeeze %dma_wait3A_109 : memref<1x640x16xf32, #tpu.memory_space<hbm>> -> memref<640x16xf32, #tpu.memory_space<hbm>>
      %dma_wait3A_111 = arith.constant 0 : i32
      %dma_wait3A_112 = tpu.memref_slice %arg9[%mul3A_99, %dma_wait3A_111] : memref<10240x16xf32, #tpu.memory_space<vmem_shared>> -> memref<640x16xf32, #tpu.memory_space<vmem_shared>>
      tpu.wait_dma2 semaphore(%run_scoped3A_102 : memref<!tpu.dma_semaphore, #tpu.memory_space<semaphore_mem>>) src(%dma_wait3A_112 : memref<640x16xf32, #tpu.memory_space<vmem_shared>>) dst(%dma_wait3A_110 : memref<640x16xf32, #tpu.memory_space<hbm>>)
      tpu.yield
    }) : () -> ()
    return
  }
}

#map = affine_map<(d0, d1) -> (0, 0)>
#map1 = affine_map<(d0, d1) -> (0, 0, 0)>
module attributes {stable_mosaic.version = 14 : i64} {
  func.func @kernel(%arg0: i32, %arg1: i32, %arg2: memref<20480x64xf32, #tpu.memory_space<hbm>>, %arg3: memref<2x320000xi32, #tpu.memory_space<hbm>>, %arg4: memref<2x10240x128xf32, #tpu.memory_space<hbm>>, %arg5: memref<10000xi32, #tpu.memory_space<vmem>>, %arg6: memref<10000xi32, #tpu.memory_space<vmem>>, %arg7: memref<400x64xf32, #tpu.memory_space<vmem>>, %arg8: memref<400x64xf32, #tpu.memory_space<vmem>>, %arg9: memref<10240x64xf32, #tpu.memory_space<vmem_shared>>, %arg10: memref<!tpu.dma_semaphore, #tpu.memory_space<semaphore_mem>>, %arg11: memref<!tpu.dma_semaphore, #tpu.memory_space<semaphore_mem>>) attributes {dimension_semantics = [#tpu.dimension_semantics<core_parallel>, #tpu.dimension_semantics<subcore_parallel>], iteration_bounds = array<i64: 2, 16>, scalar_prefetch = 0 : i64, scratch_operands = 7 : i64, tpu.core_type = #tpu.core_type<sc_vector_subcore>, window_params = [{transform_indices = #map}, {transform_indices = #map}, {transform_indices = #map1}]} {
    %mul3A = arith.constant 2 : i32
    %mul3A_0 = arith.muli %arg1, %mul3A : i32
    %add3A = arith.addi %mul3A_0, %arg0 : i32
    %mul3A_1 = arith.constant 10000 : i32
    %mul3A_2 = arith.muli %add3A, %mul3A_1 : i32
    %run_scoped3A = arith.constant 0 : i32
    "tpu.region"() ({
      %run_scoped3A_69 = tpu.sem_alloc : memref<!tpu.dma_semaphore, #tpu.memory_space<semaphore_mem>>
      %dma_start3A_70 = tpu.memref_slice %arg3[%run_scoped3A, %mul3A_2] : memref<2x320000xi32, #tpu.memory_space<hbm>> -> memref<1x10000xi32, #tpu.memory_space<hbm>>
      %dma_start3A_71 = tpu.memref_squeeze %dma_start3A_70 : memref<1x10000xi32, #tpu.memory_space<hbm>> -> memref<10000xi32, #tpu.memory_space<hbm>>
      %dma_start3A_72 = tpu.memref_slice %arg3[%run_scoped3A, %mul3A_2] : memref<2x320000xi32, #tpu.memory_space<hbm>> -> memref<1x10000xi32, #tpu.memory_space<hbm>>
      %dma_start3A_73 = tpu.memref_squeeze %dma_start3A_72 : memref<1x10000xi32, #tpu.memory_space<hbm>> -> memref<10000xi32, #tpu.memory_space<hbm>>
      tpu.enqueue_dma source(%dma_start3A_73 : memref<10000xi32, #tpu.memory_space<hbm>>) target(%arg5 : memref<10000xi32, #tpu.memory_space<vmem>>) target_semaphore(%run_scoped3A_69 : memref<!tpu.dma_semaphore, #tpu.memory_space<semaphore_mem>>)
      %dma_wait3A_74 = tpu.memref_slice %arg3[%run_scoped3A, %mul3A_2] : memref<2x320000xi32, #tpu.memory_space<hbm>> -> memref<1x10000xi32, #tpu.memory_space<hbm>>
      %dma_wait3A_75 = tpu.memref_squeeze %dma_wait3A_74 : memref<1x10000xi32, #tpu.memory_space<hbm>> -> memref<10000xi32, #tpu.memory_space<hbm>>
      %dma_wait3A_76 = tpu.memref_slice %arg3[%run_scoped3A, %mul3A_2] : memref<2x320000xi32, #tpu.memory_space<hbm>> -> memref<1x10000xi32, #tpu.memory_space<hbm>>
      %dma_wait3A_77 = tpu.memref_squeeze %dma_wait3A_76 : memref<1x10000xi32, #tpu.memory_space<hbm>> -> memref<10000xi32, #tpu.memory_space<hbm>>
      tpu.wait_dma2 semaphore(%run_scoped3A_69 : memref<!tpu.dma_semaphore, #tpu.memory_space<semaphore_mem>>) src(%dma_wait3A_77 : memref<10000xi32, #tpu.memory_space<hbm>>) dst(%arg5 : memref<10000xi32, #tpu.memory_space<vmem>>)
      tpu.yield
    }) : () -> ()
    %mul3A_3 = arith.constant 10000 : i32
    %mul3A_4 = arith.muli %add3A, %mul3A_3 : i32
    %run_scoped3A_5 = arith.constant 1 : i32
    "tpu.region"() ({
      %run_scoped3A_69 = tpu.sem_alloc : memref<!tpu.dma_semaphore, #tpu.memory_space<semaphore_mem>>
      %dma_start3A_70 = tpu.memref_slice %arg3[%run_scoped3A_5, %mul3A_4] : memref<2x320000xi32, #tpu.memory_space<hbm>> -> memref<1x10000xi32, #tpu.memory_space<hbm>>
      %dma_start3A_71 = tpu.memref_squeeze %dma_start3A_70 : memref<1x10000xi32, #tpu.memory_space<hbm>> -> memref<10000xi32, #tpu.memory_space<hbm>>
      %dma_start3A_72 = tpu.memref_slice %arg3[%run_scoped3A_5, %mul3A_4] : memref<2x320000xi32, #tpu.memory_space<hbm>> -> memref<1x10000xi32, #tpu.memory_space<hbm>>
      %dma_start3A_73 = tpu.memref_squeeze %dma_start3A_72 : memref<1x10000xi32, #tpu.memory_space<hbm>> -> memref<10000xi32, #tpu.memory_space<hbm>>
      tpu.enqueue_dma source(%dma_start3A_73 : memref<10000xi32, #tpu.memory_space<hbm>>) target(%arg6 : memref<10000xi32, #tpu.memory_space<vmem>>) target_semaphore(%run_scoped3A_69 : memref<!tpu.dma_semaphore, #tpu.memory_space<semaphore_mem>>)
      %dma_wait3A_74 = tpu.memref_slice %arg3[%run_scoped3A_5, %mul3A_4] : memref<2x320000xi32, #tpu.memory_space<hbm>> -> memref<1x10000xi32, #tpu.memory_space<hbm>>
      %dma_wait3A_75 = tpu.memref_squeeze %dma_wait3A_74 : memref<1x10000xi32, #tpu.memory_space<hbm>> -> memref<10000xi32, #tpu.memory_space<hbm>>
      %dma_wait3A_76 = tpu.memref_slice %arg3[%run_scoped3A_5, %mul3A_4] : memref<2x320000xi32, #tpu.memory_space<hbm>> -> memref<1x10000xi32, #tpu.memory_space<hbm>>
      %dma_wait3A_77 = tpu.memref_squeeze %dma_wait3A_76 : memref<1x10000xi32, #tpu.memory_space<hbm>> -> memref<10000xi32, #tpu.memory_space<hbm>>
      tpu.wait_dma2 semaphore(%run_scoped3A_69 : memref<!tpu.dma_semaphore, #tpu.memory_space<semaphore_mem>>) src(%dma_wait3A_77 : memref<10000xi32, #tpu.memory_space<hbm>>) dst(%arg6 : memref<10000xi32, #tpu.memory_space<vmem>>)
      tpu.yield
    }) : () -> ()
    %scan3A = arith.constant 0 : i32
    %scan3A_6 = arith.constant 625 : i32
    %scan3A_7 = arith.addi %scan3A, %scan3A_6 : i32
    %scan3A_8 = arith.constant 1 : i32
    scf.for %scan3A_69 = %scan3A to %scan3A_7 step %scan3A_8  : i32 {
      %mul3A_70 = arith.constant 16 : i32
      %mul3A_71 = arith.muli %scan3A_69, %mul3A_70 : i32
      %add3A_72 = arith.constant 0 : i32
      %add3A_73 = arith.addi %add3A_72, %mul3A_71 : i32
      %get3A = arith.index_cast %add3A_73 : i32 to index
      %get3A_74 = tpu.vector_load %arg5[%get3A] {strides = array<i32>} : memref<10000xi32, #tpu.memory_space<vmem>>, vector<16xi32>,
      %get3A_75 = vector.shape_cast %get3A_74 : vector<16xi32> to vector<16xi32>
      %mul3A_76 = arith.constant 2 : i32
      %mul3A_77 = vector.broadcast %mul3A_76 : i32 to vector<16xi32>
      %mul3A_78 = arith.muli %get3A_75, %mul3A_77 : vector<16xi32>
      %swap3A = arith.index_cast %add3A_73 : i32 to index
      %swap3A_79 = tpu.vector_load %arg5[%swap3A] {strides = array<i32>} : memref<10000xi32, #tpu.memory_space<vmem>>, vector<16xi32>,
      %swap3A_80 = vector.shape_cast %swap3A_79 : vector<16xi32> to vector<16xi32>
      %swap3A_81 = vector.shape_cast %mul3A_78 : vector<16xi32> to vector<16xi32>
      tpu.vector_store %arg5[%swap3A], %swap3A_81 {strides = array<i32>} : memref<10000xi32, #tpu.memory_space<vmem>>, vector<16xi32>,
    }
    %scan3A_9 = arith.constant 625 : i32
    %scan3A_10 = arith.constant 0 : i32
    %scan3A_11 = arith.constant 160 : i32
    %scan3A_12 = arith.addi %scan3A_10, %scan3A_11 : i32
    %scan3A_13 = arith.constant 1 : i32
    scf.for %scan3A_69 = %scan3A_10 to %scan3A_12 step %scan3A_13  : i32 {
      %mul3A_70 = arith.constant 1 : i32
      %mul3A_71 = arith.muli %scan3A_69, %mul3A_70 : i32
      %add3A_72 = arith.constant 0 : i32
      %add3A_73 = arith.addi %add3A_72, %mul3A_71 : i32
      %scan3A_74 = arith.constant 0 : i32
      %scan3A_75 = arith.constant 4 : i32
      %scan3A_76 = arith.addi %scan3A_74, %scan3A_75 : i32
      %scan3A_77 = arith.constant 1 : i32
      scf.for %scan3A_79 = %scan3A_74 to %scan3A_76 step %scan3A_77  : i32 {
        %mul3A_80 = arith.constant 16 : i32
        %mul3A_81 = arith.muli %scan3A_79, %mul3A_80 : i32
        %add3A_82 = arith.constant 0 : i32
        %add3A_83 = arith.addi %add3A_82, %mul3A_81 : i32
        %broadcast_in_dim3A = arith.constant 0.000000e+00 : f32
        %broadcast_in_dim3A_84 = vector.broadcast %broadcast_in_dim3A : f32 to vector<16xf32>
        %swap3A = arith.index_cast %add3A_73 : i32 to index
        %swap3A_85 = arith.index_cast %add3A_83 : i32 to index
        %swap3A_86 = tpu.vector_load %arg7[%swap3A, %swap3A_85] {strides = array<i32>} : memref<400x64xf32, #tpu.memory_space<vmem>>, vector<1x16xf32>,
        %swap3A_87 = vector.shape_cast %swap3A_86 : vector<1x16xf32> to vector<16xf32>
        %swap3A_88 = vector.shape_cast %broadcast_in_dim3A_84 : vector<16xf32> to vector<1x16xf32>
        tpu.vector_store %arg7[%swap3A, %swap3A_85], %swap3A_88 {strides = array<i32>} : memref<400x64xf32, #tpu.memory_space<vmem>>, vector<1x16xf32>,
      }
      %scan3A_78 = arith.constant 4 : i32
    }
    %scan3A_14 = arith.constant 160 : i32
    %mul3A_15 = arith.constant 640 : i32
    %mul3A_16 = arith.muli %arg1, %mul3A_15 : i32
    %add3A_17 = arith.constant 0 : i32
    %add3A_18 = arith.addi %mul3A_16, %add3A_17 : i32
    "tpu.region"() ({
      %run_scoped3A_69 = tpu.sem_alloc : memref<!tpu.dma_semaphore, #tpu.memory_space<semaphore_mem>>
      %dma_start3A_70 = arith.constant 0 : i32
      %dma_start3A_71 = arith.constant 0 : i32
      %dma_start3A_72 = tpu.memref_slice %arg7[%dma_start3A_70, %dma_start3A_71] : memref<400x64xf32, #tpu.memory_space<vmem>> -> memref<160x64xf32, #tpu.memory_space<vmem>>
      %dma_start3A_73 = arith.constant 0 : i32
      %dma_start3A_74 = tpu.memref_slice %arg9[%add3A_18, %dma_start3A_73] : memref<10240x64xf32, #tpu.memory_space<vmem_shared>> -> memref<160x64xf32, #tpu.memory_space<vmem_shared>>
      %dma_start3A_75 = arith.constant 0 : i32
      %dma_start3A_76 = tpu.memref_slice %arg9[%add3A_18, %dma_start3A_75] : memref<10240x64xf32, #tpu.memory_space<vmem_shared>> -> memref<160x64xf32, #tpu.memory_space<vmem_shared>>
      %dma_start3A_77 = arith.constant 0 : i32
      %dma_start3A_78 = arith.constant 0 : i32
      %dma_start3A_79 = tpu.memref_slice %arg7[%dma_start3A_77, %dma_start3A_78] : memref<400x64xf32, #tpu.memory_space<vmem>> -> memref<160x64xf32, #tpu.memory_space<vmem>>
      tpu.enqueue_dma source(%dma_start3A_79 : memref<160x64xf32, #tpu.memory_space<vmem>>) target(%dma_start3A_76 : memref<160x64xf32, #tpu.memory_space<vmem_shared>>) target_semaphore(%run_scoped3A_69 : memref<!tpu.dma_semaphore, #tpu.memory_space<semaphore_mem>>)
      %dma_wait3A_80 = arith.constant 0 : i32
      %dma_wait3A_81 = arith.constant 0 : i32
      %dma_wait3A_82 = tpu.memref_slice %arg7[%dma_wait3A_80, %dma_wait3A_81] : memref<400x64xf32, #tpu.memory_space<vmem>> -> memref<160x64xf32, #tpu.memory_space<vmem>>
      %dma_wait3A_83 = arith.constant 0 : i32
      %dma_wait3A_84 = tpu.memref_slice %arg9[%add3A_18, %dma_wait3A_83] : memref<10240x64xf32, #tpu.memory_space<vmem_shared>> -> memref<160x64xf32, #tpu.memory_space<vmem_shared>>
      %dma_wait3A_85 = arith.constant 0 : i32
      %dma_wait3A_86 = tpu.memref_slice %arg9[%add3A_18, %dma_wait3A_85] : memref<10240x64xf32, #tpu.memory_space<vmem_shared>> -> memref<160x64xf32, #tpu.memory_space<vmem_shared>>
      %dma_wait3A_87 = arith.constant 0 : i32
      %dma_wait3A_88 = arith.constant 0 : i32
      %dma_wait3A_89 = tpu.memref_slice %arg7[%dma_wait3A_87, %dma_wait3A_88] : memref<400x64xf32, #tpu.memory_space<vmem>> -> memref<160x64xf32, #tpu.memory_space<vmem>>
      tpu.wait_dma2 semaphore(%run_scoped3A_69 : memref<!tpu.dma_semaphore, #tpu.memory_space<semaphore_mem>>) src(%dma_wait3A_89 : memref<160x64xf32, #tpu.memory_space<vmem>>) dst(%dma_wait3A_86 : memref<160x64xf32, #tpu.memory_space<vmem_shared>>)
      tpu.yield
    }) : () -> ()
    %mul3A_19 = arith.constant 640 : i32
    %mul3A_20 = arith.muli %arg1, %mul3A_19 : i32
    %add3A_21 = arith.constant 160 : i32
    %add3A_22 = arith.addi %mul3A_20, %add3A_21 : i32
    "tpu.region"() ({
      %run_scoped3A_69 = tpu.sem_alloc : memref<!tpu.dma_semaphore, #tpu.memory_space<semaphore_mem>>
      %dma_start3A_70 = arith.constant 0 : i32
      %dma_start3A_71 = arith.constant 0 : i32
      %dma_start3A_72 = tpu.memref_slice %arg7[%dma_start3A_70, %dma_start3A_71] : memref<400x64xf32, #tpu.memory_space<vmem>> -> memref<160x64xf32, #tpu.memory_space<vmem>>
      %dma_start3A_73 = arith.constant 0 : i32
      %dma_start3A_74 = tpu.memref_slice %arg9[%add3A_22, %dma_start3A_73] : memref<10240x64xf32, #tpu.memory_space<vmem_shared>> -> memref<160x64xf32, #tpu.memory_space<vmem_shared>>
      %dma_start3A_75 = arith.constant 0 : i32
      %dma_start3A_76 = tpu.memref_slice %arg9[%add3A_22, %dma_start3A_75] : memref<10240x64xf32, #tpu.memory_space<vmem_shared>> -> memref<160x64xf32, #tpu.memory_space<vmem_shared>>
      %dma_start3A_77 = arith.constant 0 : i32
      %dma_start3A_78 = arith.constant 0 : i32
      %dma_start3A_79 = tpu.memref_slice %arg7[%dma_start3A_77, %dma_start3A_78] : memref<400x64xf32, #tpu.memory_space<vmem>> -> memref<160x64xf32, #tpu.memory_space<vmem>>
      tpu.enqueue_dma source(%dma_start3A_79 : memref<160x64xf32, #tpu.memory_space<vmem>>) target(%dma_start3A_76 : memref<160x64xf32, #tpu.memory_space<vmem_shared>>) target_semaphore(%run_scoped3A_69 : memref<!tpu.dma_semaphore, #tpu.memory_space<semaphore_mem>>)
      %dma_wait3A_80 = arith.constant 0 : i32
      %dma_wait3A_81 = arith.constant 0 : i32
      %dma_wait3A_82 = tpu.memref_slice %arg7[%dma_wait3A_80, %dma_wait3A_81] : memref<400x64xf32, #tpu.memory_space<vmem>> -> memref<160x64xf32, #tpu.memory_space<vmem>>
      %dma_wait3A_83 = arith.constant 0 : i32
      %dma_wait3A_84 = tpu.memref_slice %arg9[%add3A_22, %dma_wait3A_83] : memref<10240x64xf32, #tpu.memory_space<vmem_shared>> -> memref<160x64xf32, #tpu.memory_space<vmem_shared>>
      %dma_wait3A_85 = arith.constant 0 : i32
      %dma_wait3A_86 = tpu.memref_slice %arg9[%add3A_22, %dma_wait3A_85] : memref<10240x64xf32, #tpu.memory_space<vmem_shared>> -> memref<160x64xf32, #tpu.memory_space<vmem_shared>>
      %dma_wait3A_87 = arith.constant 0 : i32
      %dma_wait3A_88 = arith.constant 0 : i32
      %dma_wait3A_89 = tpu.memref_slice %arg7[%dma_wait3A_87, %dma_wait3A_88] : memref<400x64xf32, #tpu.memory_space<vmem>> -> memref<160x64xf32, #tpu.memory_space<vmem>>
      tpu.wait_dma2 semaphore(%run_scoped3A_69 : memref<!tpu.dma_semaphore, #tpu.memory_space<semaphore_mem>>) src(%dma_wait3A_89 : memref<160x64xf32, #tpu.memory_space<vmem>>) dst(%dma_wait3A_86 : memref<160x64xf32, #tpu.memory_space<vmem_shared>>)
      tpu.yield
    }) : () -> ()
    %mul3A_23 = arith.constant 640 : i32
    %mul3A_24 = arith.muli %arg1, %mul3A_23 : i32
    %add3A_25 = arith.constant 320 : i32
    %add3A_26 = arith.addi %mul3A_24, %add3A_25 : i32
    "tpu.region"() ({
      %run_scoped3A_69 = tpu.sem_alloc : memref<!tpu.dma_semaphore, #tpu.memory_space<semaphore_mem>>
      %dma_start3A_70 = arith.constant 0 : i32
      %dma_start3A_71 = arith.constant 0 : i32
      %dma_start3A_72 = tpu.memref_slice %arg7[%dma_start3A_70, %dma_start3A_71] : memref<400x64xf32, #tpu.memory_space<vmem>> -> memref<160x64xf32, #tpu.memory_space<vmem>>
      %dma_start3A_73 = arith.constant 0 : i32
      %dma_start3A_74 = tpu.memref_slice %arg9[%add3A_26, %dma_start3A_73] : memref<10240x64xf32, #tpu.memory_space<vmem_shared>> -> memref<160x64xf32, #tpu.memory_space<vmem_shared>>
      %dma_start3A_75 = arith.constant 0 : i32
      %dma_start3A_76 = tpu.memref_slice %arg9[%add3A_26, %dma_start3A_75] : memref<10240x64xf32, #tpu.memory_space<vmem_shared>> -> memref<160x64xf32, #tpu.memory_space<vmem_shared>>
      %dma_start3A_77 = arith.constant 0 : i32
      %dma_start3A_78 = arith.constant 0 : i32
      %dma_start3A_79 = tpu.memref_slice %arg7[%dma_start3A_77, %dma_start3A_78] : memref<400x64xf32, #tpu.memory_space<vmem>> -> memref<160x64xf32, #tpu.memory_space<vmem>>
      tpu.enqueue_dma source(%dma_start3A_79 : memref<160x64xf32, #tpu.memory_space<vmem>>) target(%dma_start3A_76 : memref<160x64xf32, #tpu.memory_space<vmem_shared>>) target_semaphore(%run_scoped3A_69 : memref<!tpu.dma_semaphore, #tpu.memory_space<semaphore_mem>>)
      %dma_wait3A_80 = arith.constant 0 : i32
      %dma_wait3A_81 = arith.constant 0 : i32
      %dma_wait3A_82 = tpu.memref_slice %arg7[%dma_wait3A_80, %dma_wait3A_81] : memref<400x64xf32, #tpu.memory_space<vmem>> -> memref<160x64xf32, #tpu.memory_space<vmem>>
      %dma_wait3A_83 = arith.constant 0 : i32
      %dma_wait3A_84 = tpu.memref_slice %arg9[%add3A_26, %dma_wait3A_83] : memref<10240x64xf32, #tpu.memory_space<vmem_shared>> -> memref<160x64xf32, #tpu.memory_space<vmem_shared>>
      %dma_wait3A_85 = arith.constant 0 : i32
      %dma_wait3A_86 = tpu.memref_slice %arg9[%add3A_26, %dma_wait3A_85] : memref<10240x64xf32, #tpu.memory_space<vmem_shared>> -> memref<160x64xf32, #tpu.memory_space<vmem_shared>>
      %dma_wait3A_87 = arith.constant 0 : i32
      %dma_wait3A_88 = arith.constant 0 : i32
      %dma_wait3A_89 = tpu.memref_slice %arg7[%dma_wait3A_87, %dma_wait3A_88] : memref<400x64xf32, #tpu.memory_space<vmem>> -> memref<160x64xf32, #tpu.memory_space<vmem>>
      tpu.wait_dma2 semaphore(%run_scoped3A_69 : memref<!tpu.dma_semaphore, #tpu.memory_space<semaphore_mem>>) src(%dma_wait3A_89 : memref<160x64xf32, #tpu.memory_space<vmem>>) dst(%dma_wait3A_86 : memref<160x64xf32, #tpu.memory_space<vmem_shared>>)
      tpu.yield
    }) : () -> ()
    %mul3A_27 = arith.constant 640 : i32
    %mul3A_28 = arith.muli %arg1, %mul3A_27 : i32
    %add3A_29 = arith.constant 480 : i32
    %add3A_30 = arith.addi %mul3A_28, %add3A_29 : i32
    "tpu.region"() ({
      %run_scoped3A_69 = tpu.sem_alloc : memref<!tpu.dma_semaphore, #tpu.memory_space<semaphore_mem>>
      %dma_start3A_70 = arith.constant 0 : i32
      %dma_start3A_71 = arith.constant 0 : i32
      %dma_start3A_72 = tpu.memref_slice %arg7[%dma_start3A_70, %dma_start3A_71] : memref<400x64xf32, #tpu.memory_space<vmem>> -> memref<160x64xf32, #tpu.memory_space<vmem>>
      %dma_start3A_73 = arith.constant 0 : i32
      %dma_start3A_74 = tpu.memref_slice %arg9[%add3A_30, %dma_start3A_73] : memref<10240x64xf32, #tpu.memory_space<vmem_shared>> -> memref<160x64xf32, #tpu.memory_space<vmem_shared>>
      %dma_start3A_75 = arith.constant 0 : i32
      %dma_start3A_76 = tpu.memref_slice %arg9[%add3A_30, %dma_start3A_75] : memref<10240x64xf32, #tpu.memory_space<vmem_shared>> -> memref<160x64xf32, #tpu.memory_space<vmem_shared>>
      %dma_start3A_77 = arith.constant 0 : i32
      %dma_start3A_78 = arith.constant 0 : i32
      %dma_start3A_79 = tpu.memref_slice %arg7[%dma_start3A_77, %dma_start3A_78] : memref<400x64xf32, #tpu.memory_space<vmem>> -> memref<160x64xf32, #tpu.memory_space<vmem>>
      tpu.enqueue_dma source(%dma_start3A_79 : memref<160x64xf32, #tpu.memory_space<vmem>>) target(%dma_start3A_76 : memref<160x64xf32, #tpu.memory_space<vmem_shared>>) target_semaphore(%run_scoped3A_69 : memref<!tpu.dma_semaphore, #tpu.memory_space<semaphore_mem>>)
      %dma_wait3A_80 = arith.constant 0 : i32
      %dma_wait3A_81 = arith.constant 0 : i32
      %dma_wait3A_82 = tpu.memref_slice %arg7[%dma_wait3A_80, %dma_wait3A_81] : memref<400x64xf32, #tpu.memory_space<vmem>> -> memref<160x64xf32, #tpu.memory_space<vmem>>
      %dma_wait3A_83 = arith.constant 0 : i32
      %dma_wait3A_84 = tpu.memref_slice %arg9[%add3A_30, %dma_wait3A_83] : memref<10240x64xf32, #tpu.memory_space<vmem_shared>> -> memref<160x64xf32, #tpu.memory_space<vmem_shared>>
      %dma_wait3A_85 = arith.constant 0 : i32
      %dma_wait3A_86 = tpu.memref_slice %arg9[%add3A_30, %dma_wait3A_85] : memref<10240x64xf32, #tpu.memory_space<vmem_shared>> -> memref<160x64xf32, #tpu.memory_space<vmem_shared>>
      %dma_wait3A_87 = arith.constant 0 : i32
      %dma_wait3A_88 = arith.constant 0 : i32
      %dma_wait3A_89 = tpu.memref_slice %arg7[%dma_wait3A_87, %dma_wait3A_88] : memref<400x64xf32, #tpu.memory_space<vmem>> -> memref<160x64xf32, #tpu.memory_space<vmem>>
      tpu.wait_dma2 semaphore(%run_scoped3A_69 : memref<!tpu.dma_semaphore, #tpu.memory_space<semaphore_mem>>) src(%dma_wait3A_89 : memref<160x64xf32, #tpu.memory_space<vmem>>) dst(%dma_wait3A_86 : memref<160x64xf32, #tpu.memory_space<vmem_shared>>)
      tpu.yield
    }) : () -> ()
    %barrier3A = arith.constant 0 : index
    tpu.barrier barrier_id(%barrier3A)
    %dma_start3A = arith.constant 0 : i32
    %dma_start3A_31 = tpu.memref_slice %arg5[%dma_start3A] : memref<10000xi32, #tpu.memory_space<vmem>> -> memref<400xi32, #tpu.memory_space<vmem>>
    %dma_start3A_32 = arith.constant 0 : i32
    %dma_start3A_33 = arith.constant 0 : i32
    %dma_start3A_34 = tpu.memref_slice %arg2[%dma_start3A_32, %dma_start3A_33] : memref<20480x64xf32, #tpu.memory_space<hbm>> -> memref<20480x64xf32, #tpu.memory_space<hbm>>
    tpu.enqueue_indirect_dma source(%dma_start3A_34 : memref<20480x64xf32, #tpu.memory_space<hbm>>) target(%arg7 : memref<400x64xf32, #tpu.memory_space<vmem>>) offsets(%dma_start3A_31 : memref<400xi32, #tpu.memory_space<vmem>>) semaphore(%arg10 : memref<!tpu.dma_semaphore, #tpu.memory_space<semaphore_mem>>)
    %dma_start3A_35 = arith.constant 400 : i32
    %dma_start3A_36 = tpu.memref_slice %arg5[%dma_start3A_35] : memref<10000xi32, #tpu.memory_space<vmem>> -> memref<400xi32, #tpu.memory_space<vmem>>
    %dma_start3A_37 = arith.constant 0 : i32
    %dma_start3A_38 = arith.constant 0 : i32
    %dma_start3A_39 = tpu.memref_slice %arg2[%dma_start3A_37, %dma_start3A_38] : memref<20480x64xf32, #tpu.memory_space<hbm>> -> memref<20480x64xf32, #tpu.memory_space<hbm>>
    tpu.enqueue_indirect_dma source(%dma_start3A_39 : memref<20480x64xf32, #tpu.memory_space<hbm>>) target(%arg8 : memref<400x64xf32, #tpu.memory_space<vmem>>) offsets(%dma_start3A_36 : memref<400xi32, #tpu.memory_space<vmem>>) semaphore(%arg11 : memref<!tpu.dma_semaphore, #tpu.memory_space<semaphore_mem>>)
    %scan3A_40 = arith.constant 0 : i32
    %scan3A_41 = arith.constant 11 : i32
    %scan3A_42 = arith.addi %scan3A_40, %scan3A_41 : i32
    %scan3A_43 = arith.constant 1 : i32
    scf.for %scan3A_69 = %scan3A_40 to %scan3A_42 step %scan3A_43  : i32 {
      %mul3A_70 = arith.constant 2 : i32
      %mul3A_71 = arith.muli %scan3A_69, %mul3A_70 : i32
      %add3A_72 = arith.constant 0 : i32
      %add3A_73 = arith.addi %add3A_72, %mul3A_71 : i32
      %add3A_74 = arith.constant 0 : i32
      %add3A_75 = arith.addi %add3A_73, %add3A_74 : i32
      %mul3A_76 = arith.constant 400 : i32
      %mul3A_77 = arith.muli %add3A_75, %mul3A_76 : i32
      %dma_wait3A_78 = tpu.memref_slice %arg5[%mul3A_77] : memref<10000xi32, #tpu.memory_space<vmem>> -> memref<400xi32, #tpu.memory_space<vmem>>
      %dma_wait3A_79 = arith.constant 0 : i32
      %dma_wait3A_80 = arith.constant 0 : i32
      %dma_wait3A_81 = tpu.memref_slice %arg2[%dma_wait3A_79, %dma_wait3A_80] : memref<20480x64xf32, #tpu.memory_space<hbm>> -> memref<20480x64xf32, #tpu.memory_space<hbm>>
      tpu.wait_indirect_dma semaphore(%arg10 : memref<!tpu.dma_semaphore, #tpu.memory_space<semaphore_mem>>) src(%dma_wait3A_81 : memref<20480x64xf32, #tpu.memory_space<hbm>>) dst(%arg7 : memref<400x64xf32, #tpu.memory_space<vmem>>)
      %add3A_82 = arith.constant 0 : i32
      %add3A_83 = arith.addi %add3A_73, %add3A_82 : i32
      %mul3A_84 = arith.constant 400 : i32
      %mul3A_85 = arith.muli %add3A_83, %mul3A_84 : i32
      "tpu.region"() ({
        %run_scoped3A_118 = tpu.sem_alloc : memref<!tpu.dma_semaphore, #tpu.memory_space<semaphore_mem>>
        %dma_start3A_119 = tpu.memref_slice %arg6[%mul3A_85] : memref<10000xi32, #tpu.memory_space<vmem>> -> memref<400xi32, #tpu.memory_space<vmem>>
        %dma_start3A_120 = arith.constant 0 : i32
        %dma_start3A_121 = arith.constant 0 : i32
        %dma_start3A_122 = tpu.memref_slice %arg9[%dma_start3A_120, %dma_start3A_121] : memref<10240x64xf32, #tpu.memory_space<vmem_shared>> -> memref<10240x64xf32, #tpu.memory_space<vmem_shared>>
        tpu.enqueue_indirect_dma source(%arg7 : memref<400x64xf32, #tpu.memory_space<vmem>>) target(%dma_start3A_122 : memref<10240x64xf32, #tpu.memory_space<vmem_shared>>) offsets(%dma_start3A_119 : memref<400xi32, #tpu.memory_space<vmem>>) semaphore(%run_scoped3A_118 : memref<!tpu.dma_semaphore, #tpu.memory_space<semaphore_mem>>) {add = true}
        %dma_wait3A_123 = tpu.memref_slice %arg6[%mul3A_85] : memref<10000xi32, #tpu.memory_space<vmem>> -> memref<400xi32, #tpu.memory_space<vmem>>
        %dma_wait3A_124 = arith.constant 0 : i32
        %dma_wait3A_125 = arith.constant 0 : i32
        %dma_wait3A_126 = tpu.memref_slice %arg9[%dma_wait3A_124, %dma_wait3A_125] : memref<10240x64xf32, #tpu.memory_space<vmem_shared>> -> memref<10240x64xf32, #tpu.memory_space<vmem_shared>>
        tpu.wait_indirect_dma semaphore(%run_scoped3A_118 : memref<!tpu.dma_semaphore, #tpu.memory_space<semaphore_mem>>) src(%arg7 : memref<400x64xf32, #tpu.memory_space<vmem>>) dst(%dma_wait3A_126 : memref<10240x64xf32, #tpu.memory_space<vmem_shared>>)
        tpu.yield
      }) : () -> ()
      %add3A_86 = arith.constant 0 : i32
      %add3A_87 = arith.addi %add3A_73, %add3A_86 : i32
      %add3A_88 = arith.constant 2 : i32
      %add3A_89 = arith.addi %add3A_87, %add3A_88 : i32
      %mul3A_90 = arith.constant 400 : i32
      %mul3A_91 = arith.muli %add3A_89, %mul3A_90 : i32
      %dma_start3A_92 = tpu.memref_slice %arg5[%mul3A_91] : memref<10000xi32, #tpu.memory_space<vmem>> -> memref<400xi32, #tpu.memory_space<vmem>>
      %dma_start3A_93 = arith.constant 0 : i32
      %dma_start3A_94 = arith.constant 0 : i32
      %dma_start3A_95 = tpu.memref_slice %arg2[%dma_start3A_93, %dma_start3A_94] : memref<20480x64xf32, #tpu.memory_space<hbm>> -> memref<20480x64xf32, #tpu.memory_space<hbm>>
      tpu.enqueue_indirect_dma source(%dma_start3A_95 : memref<20480x64xf32, #tpu.memory_space<hbm>>) target(%arg7 : memref<400x64xf32, #tpu.memory_space<vmem>>) offsets(%dma_start3A_92 : memref<400xi32, #tpu.memory_space<vmem>>) semaphore(%arg10 : memref<!tpu.dma_semaphore, #tpu.memory_space<semaphore_mem>>)
      %add3A_96 = arith.constant 1 : i32
      %add3A_97 = arith.addi %add3A_73, %add3A_96 : i32
      %mul3A_98 = arith.constant 400 : i32
      %mul3A_99 = arith.muli %add3A_97, %mul3A_98 : i32
      %dma_wait3A_100 = tpu.memref_slice %arg5[%mul3A_99] : memref<10000xi32, #tpu.memory_space<vmem>> -> memref<400xi32, #tpu.memory_space<vmem>>
      %dma_wait3A_101 = arith.constant 0 : i32
      %dma_wait3A_102 = arith.constant 0 : i32
      %dma_wait3A_103 = tpu.memref_slice %arg2[%dma_wait3A_101, %dma_wait3A_102] : memref<20480x64xf32, #tpu.memory_space<hbm>> -> memref<20480x64xf32, #tpu.memory_space<hbm>>
      tpu.wait_indirect_dma semaphore(%arg11 : memref<!tpu.dma_semaphore, #tpu.memory_space<semaphore_mem>>) src(%dma_wait3A_103 : memref<20480x64xf32, #tpu.memory_space<hbm>>) dst(%arg8 : memref<400x64xf32, #tpu.memory_space<vmem>>)
      %add3A_104 = arith.constant 1 : i32
      %add3A_105 = arith.addi %add3A_73, %add3A_104 : i32
      %mul3A_106 = arith.constant 400 : i32
      %mul3A_107 = arith.muli %add3A_105, %mul3A_106 : i32
      "tpu.region"() ({
        %run_scoped3A_118 = tpu.sem_alloc : memref<!tpu.dma_semaphore, #tpu.memory_space<semaphore_mem>>
        %dma_start3A_119 = tpu.memref_slice %arg6[%mul3A_107] : memref<10000xi32, #tpu.memory_space<vmem>> -> memref<400xi32, #tpu.memory_space<vmem>>
        %dma_start3A_120 = arith.constant 0 : i32
        %dma_start3A_121 = arith.constant 0 : i32
        %dma_start3A_122 = tpu.memref_slice %arg9[%dma_start3A_120, %dma_start3A_121] : memref<10240x64xf32, #tpu.memory_space<vmem_shared>> -> memref<10240x64xf32, #tpu.memory_space<vmem_shared>>
        tpu.enqueue_indirect_dma source(%arg8 : memref<400x64xf32, #tpu.memory_space<vmem>>) target(%dma_start3A_122 : memref<10240x64xf32, #tpu.memory_space<vmem_shared>>) offsets(%dma_start3A_119 : memref<400xi32, #tpu.memory_space<vmem>>) semaphore(%run_scoped3A_118 : memref<!tpu.dma_semaphore, #tpu.memory_space<semaphore_mem>>) {add = true}
        %dma_wait3A_123 = tpu.memref_slice %arg6[%mul3A_107] : memref<10000xi32, #tpu.memory_space<vmem>> -> memref<400xi32, #tpu.memory_space<vmem>>
        %dma_wait3A_124 = arith.constant 0 : i32
        %dma_wait3A_125 = arith.constant 0 : i32
        %dma_wait3A_126 = tpu.memref_slice %arg9[%dma_wait3A_124, %dma_wait3A_125] : memref<10240x64xf32, #tpu.memory_space<vmem_shared>> -> memref<10240x64xf32, #tpu.memory_space<vmem_shared>>
        tpu.wait_indirect_dma semaphore(%run_scoped3A_118 : memref<!tpu.dma_semaphore, #tpu.memory_space<semaphore_mem>>) src(%arg8 : memref<400x64xf32, #tpu.memory_space<vmem>>) dst(%dma_wait3A_126 : memref<10240x64xf32, #tpu.memory_space<vmem_shared>>)
        tpu.yield
      }) : () -> ()
      %add3A_108 = arith.constant 1 : i32
      %add3A_109 = arith.addi %add3A_73, %add3A_108 : i32
      %add3A_110 = arith.constant 2 : i32
      %add3A_111 = arith.addi %add3A_109, %add3A_110 : i32
      %mul3A_112 = arith.constant 400 : i32
      %mul3A_113 = arith.muli %add3A_111, %mul3A_112 : i32
      %dma_start3A_114 = tpu.memref_slice %arg5[%mul3A_113] : memref<10000xi32, #tpu.memory_space<vmem>> -> memref<400xi32, #tpu.memory_space<vmem>>
      %dma_start3A_115 = arith.constant 0 : i32
      %dma_start3A_116 = arith.constant 0 : i32
      %dma_start3A_117 = tpu.memref_slice %arg2[%dma_start3A_115, %dma_start3A_116] : memref<20480x64xf32, #tpu.memory_space<hbm>> -> memref<20480x64xf32, #tpu.memory_space<hbm>>
      tpu.enqueue_indirect_dma source(%dma_start3A_117 : memref<20480x64xf32, #tpu.memory_space<hbm>>) target(%arg8 : memref<400x64xf32, #tpu.memory_space<vmem>>) offsets(%dma_start3A_114 : memref<400xi32, #tpu.memory_space<vmem>>) semaphore(%arg11 : memref<!tpu.dma_semaphore, #tpu.memory_space<semaphore_mem>>)
    }
    %scan3A_44 = arith.constant 11 : i32
    %dma_wait3A = arith.constant 8800 : i32
    %dma_wait3A_45 = tpu.memref_slice %arg5[%dma_wait3A] : memref<10000xi32, #tpu.memory_space<vmem>> -> memref<400xi32, #tpu.memory_space<vmem>>
    %dma_wait3A_46 = arith.constant 0 : i32
    %dma_wait3A_47 = arith.constant 0 : i32
    %dma_wait3A_48 = tpu.memref_slice %arg2[%dma_wait3A_46, %dma_wait3A_47] : memref<20480x64xf32, #tpu.memory_space<hbm>> -> memref<20480x64xf32, #tpu.memory_space<hbm>>
    tpu.wait_indirect_dma semaphore(%arg10 : memref<!tpu.dma_semaphore, #tpu.memory_space<semaphore_mem>>) src(%dma_wait3A_48 : memref<20480x64xf32, #tpu.memory_space<hbm>>) dst(%arg7 : memref<400x64xf32, #tpu.memory_space<vmem>>)
    "tpu.region"() ({
      %run_scoped3A_69 = tpu.sem_alloc : memref<!tpu.dma_semaphore, #tpu.memory_space<semaphore_mem>>
      %dma_start3A_70 = arith.constant 8800 : i32
      %dma_start3A_71 = tpu.memref_slice %arg6[%dma_start3A_70] : memref<10000xi32, #tpu.memory_space<vmem>> -> memref<400xi32, #tpu.memory_space<vmem>>
      %dma_start3A_72 = arith.constant 0 : i32
      %dma_start3A_73 = arith.constant 0 : i32
      %dma_start3A_74 = tpu.memref_slice %arg9[%dma_start3A_72, %dma_start3A_73] : memref<10240x64xf32, #tpu.memory_space<vmem_shared>> -> memref<10240x64xf32, #tpu.memory_space<vmem_shared>>
      tpu.enqueue_indirect_dma source(%arg7 : memref<400x64xf32, #tpu.memory_space<vmem>>) target(%dma_start3A_74 : memref<10240x64xf32, #tpu.memory_space<vmem_shared>>) offsets(%dma_start3A_71 : memref<400xi32, #tpu.memory_space<vmem>>) semaphore(%run_scoped3A_69 : memref<!tpu.dma_semaphore, #tpu.memory_space<semaphore_mem>>) {add = true}
      %dma_wait3A_75 = arith.constant 8800 : i32
      %dma_wait3A_76 = tpu.memref_slice %arg6[%dma_wait3A_75] : memref<10000xi32, #tpu.memory_space<vmem>> -> memref<400xi32, #tpu.memory_space<vmem>>
      %dma_wait3A_77 = arith.constant 0 : i32
      %dma_wait3A_78 = arith.constant 0 : i32
      %dma_wait3A_79 = tpu.memref_slice %arg9[%dma_wait3A_77, %dma_wait3A_78] : memref<10240x64xf32, #tpu.memory_space<vmem_shared>> -> memref<10240x64xf32, #tpu.memory_space<vmem_shared>>
      tpu.wait_indirect_dma semaphore(%run_scoped3A_69 : memref<!tpu.dma_semaphore, #tpu.memory_space<semaphore_mem>>) src(%arg7 : memref<400x64xf32, #tpu.memory_space<vmem>>) dst(%dma_wait3A_79 : memref<10240x64xf32, #tpu.memory_space<vmem_shared>>)
      tpu.yield
    }) : () -> ()
    %dma_start3A_49 = arith.constant 9600 : i32
    %dma_start3A_50 = tpu.memref_slice %arg5[%dma_start3A_49] : memref<10000xi32, #tpu.memory_space<vmem>> -> memref<400xi32, #tpu.memory_space<vmem>>
    %dma_start3A_51 = arith.constant 0 : i32
    %dma_start3A_52 = arith.constant 0 : i32
    %dma_start3A_53 = tpu.memref_slice %arg2[%dma_start3A_51, %dma_start3A_52] : memref<20480x64xf32, #tpu.memory_space<hbm>> -> memref<20480x64xf32, #tpu.memory_space<hbm>>
    tpu.enqueue_indirect_dma source(%dma_start3A_53 : memref<20480x64xf32, #tpu.memory_space<hbm>>) target(%arg7 : memref<400x64xf32, #tpu.memory_space<vmem>>) offsets(%dma_start3A_50 : memref<400xi32, #tpu.memory_space<vmem>>) semaphore(%arg10 : memref<!tpu.dma_semaphore, #tpu.memory_space<semaphore_mem>>)
    %dma_wait3A_54 = arith.constant 9200 : i32
    %dma_wait3A_55 = tpu.memref_slice %arg5[%dma_wait3A_54] : memref<10000xi32, #tpu.memory_space<vmem>> -> memref<400xi32, #tpu.memory_space<vmem>>
    %dma_wait3A_56 = arith.constant 0 : i32
    %dma_wait3A_57 = arith.constant 0 : i32
    %dma_wait3A_58 = tpu.memref_slice %arg2[%dma_wait3A_56, %dma_wait3A_57] : memref<20480x64xf32, #tpu.memory_space<hbm>> -> memref<20480x64xf32, #tpu.memory_space<hbm>>
    tpu.wait_indirect_dma semaphore(%arg11 : memref<!tpu.dma_semaphore, #tpu.memory_space<semaphore_mem>>) src(%dma_wait3A_58 : memref<20480x64xf32, #tpu.memory_space<hbm>>) dst(%arg8 : memref<400x64xf32, #tpu.memory_space<vmem>>)
    "tpu.region"() ({
      %run_scoped3A_69 = tpu.sem_alloc : memref<!tpu.dma_semaphore, #tpu.memory_space<semaphore_mem>>
      %dma_start3A_70 = arith.constant 9200 : i32
      %dma_start3A_71 = tpu.memref_slice %arg6[%dma_start3A_70] : memref<10000xi32, #tpu.memory_space<vmem>> -> memref<400xi32, #tpu.memory_space<vmem>>
      %dma_start3A_72 = arith.constant 0 : i32
      %dma_start3A_73 = arith.constant 0 : i32
      %dma_start3A_74 = tpu.memref_slice %arg9[%dma_start3A_72, %dma_start3A_73] : memref<10240x64xf32, #tpu.memory_space<vmem_shared>> -> memref<10240x64xf32, #tpu.memory_space<vmem_shared>>
      tpu.enqueue_indirect_dma source(%arg8 : memref<400x64xf32, #tpu.memory_space<vmem>>) target(%dma_start3A_74 : memref<10240x64xf32, #tpu.memory_space<vmem_shared>>) offsets(%dma_start3A_71 : memref<400xi32, #tpu.memory_space<vmem>>) semaphore(%run_scoped3A_69 : memref<!tpu.dma_semaphore, #tpu.memory_space<semaphore_mem>>) {add = true}
      %dma_wait3A_75 = arith.constant 9200 : i32
      %dma_wait3A_76 = tpu.memref_slice %arg6[%dma_wait3A_75] : memref<10000xi32, #tpu.memory_space<vmem>> -> memref<400xi32, #tpu.memory_space<vmem>>
      %dma_wait3A_77 = arith.constant 0 : i32
      %dma_wait3A_78 = arith.constant 0 : i32
      %dma_wait3A_79 = tpu.memref_slice %arg9[%dma_wait3A_77, %dma_wait3A_78] : memref<10240x64xf32, #tpu.memory_space<vmem_shared>> -> memref<10240x64xf32, #tpu.memory_space<vmem_shared>>
      tpu.wait_indirect_dma semaphore(%run_scoped3A_69 : memref<!tpu.dma_semaphore, #tpu.memory_space<semaphore_mem>>) src(%arg8 : memref<400x64xf32, #tpu.memory_space<vmem>>) dst(%dma_wait3A_79 : memref<10240x64xf32, #tpu.memory_space<vmem_shared>>)
      tpu.yield
    }) : () -> ()
    %dma_wait3A_59 = arith.constant 9600 : i32
    %dma_wait3A_60 = tpu.memref_slice %arg5[%dma_wait3A_59] : memref<10000xi32, #tpu.memory_space<vmem>> -> memref<400xi32, #tpu.memory_space<vmem>>
    %dma_wait3A_61 = arith.constant 0 : i32
    %dma_wait3A_62 = arith.constant 0 : i32
    %dma_wait3A_63 = tpu.memref_slice %arg2[%dma_wait3A_61, %dma_wait3A_62] : memref<20480x64xf32, #tpu.memory_space<hbm>> -> memref<20480x64xf32, #tpu.memory_space<hbm>>
    tpu.wait_indirect_dma semaphore(%arg10 : memref<!tpu.dma_semaphore, #tpu.memory_space<semaphore_mem>>) src(%dma_wait3A_63 : memref<20480x64xf32, #tpu.memory_space<hbm>>) dst(%arg7 : memref<400x64xf32, #tpu.memory_space<vmem>>)
    "tpu.region"() ({
      %run_scoped3A_69 = tpu.sem_alloc : memref<!tpu.dma_semaphore, #tpu.memory_space<semaphore_mem>>
      %dma_start3A_70 = arith.constant 9600 : i32
      %dma_start3A_71 = tpu.memref_slice %arg6[%dma_start3A_70] : memref<10000xi32, #tpu.memory_space<vmem>> -> memref<400xi32, #tpu.memory_space<vmem>>
      %dma_start3A_72 = arith.constant 0 : i32
      %dma_start3A_73 = arith.constant 0 : i32
      %dma_start3A_74 = tpu.memref_slice %arg9[%dma_start3A_72, %dma_start3A_73] : memref<10240x64xf32, #tpu.memory_space<vmem_shared>> -> memref<10240x64xf32, #tpu.memory_space<vmem_shared>>
      tpu.enqueue_indirect_dma source(%arg7 : memref<400x64xf32, #tpu.memory_space<vmem>>) target(%dma_start3A_74 : memref<10240x64xf32, #tpu.memory_space<vmem_shared>>) offsets(%dma_start3A_71 : memref<400xi32, #tpu.memory_space<vmem>>) semaphore(%run_scoped3A_69 : memref<!tpu.dma_semaphore, #tpu.memory_space<semaphore_mem>>) {add = true}
      %dma_wait3A_75 = arith.constant 9600 : i32
      %dma_wait3A_76 = tpu.memref_slice %arg6[%dma_wait3A_75] : memref<10000xi32, #tpu.memory_space<vmem>> -> memref<400xi32, #tpu.memory_space<vmem>>
      %dma_wait3A_77 = arith.constant 0 : i32
      %dma_wait3A_78 = arith.constant 0 : i32
      %dma_wait3A_79 = tpu.memref_slice %arg9[%dma_wait3A_77, %dma_wait3A_78] : memref<10240x64xf32, #tpu.memory_space<vmem_shared>> -> memref<10240x64xf32, #tpu.memory_space<vmem_shared>>
      tpu.wait_indirect_dma semaphore(%run_scoped3A_69 : memref<!tpu.dma_semaphore, #tpu.memory_space<semaphore_mem>>) src(%arg7 : memref<400x64xf32, #tpu.memory_space<vmem>>) dst(%dma_wait3A_79 : memref<10240x64xf32, #tpu.memory_space<vmem_shared>>)
      tpu.yield
    }) : () -> ()
    %barrier3A_64 = arith.constant 0 : index
    tpu.barrier barrier_id(%barrier3A_64)
    %mul3A_65 = arith.constant 640 : i32
    %mul3A_66 = arith.muli %arg1, %mul3A_65 : i32
    %mul3A_67 = arith.constant 640 : i32
    %mul3A_68 = arith.muli %arg1, %mul3A_67 : i32
    "tpu.region"() ({
      %run_scoped3A_69 = tpu.sem_alloc : memref<!tpu.dma_semaphore, #tpu.memory_space<semaphore_mem>>
      %dma_start3A_70 = arith.constant 0 : i32
      %dma_start3A_71 = tpu.memref_slice %arg4[%arg0, %mul3A_68, %dma_start3A_70] : memref<2x10240x128xf32, #tpu.memory_space<hbm>> -> memref<1x640x64xf32, #tpu.memory_space<hbm>>
      %dma_start3A_72 = tpu.memref_squeeze %dma_start3A_71 : memref<1x640x64xf32, #tpu.memory_space<hbm>> -> memref<640x64xf32, #tpu.memory_space<hbm>>
      %dma_start3A_73 = arith.constant 0 : i32
      %dma_start3A_74 = tpu.memref_slice %arg9[%mul3A_66, %dma_start3A_73] : memref<10240x64xf32, #tpu.memory_space<vmem_shared>> -> memref<640x64xf32, #tpu.memory_space<vmem_shared>>
      tpu.enqueue_dma source(%dma_start3A_74 : memref<640x64xf32, #tpu.memory_space<vmem_shared>>) target(%dma_start3A_72 : memref<640x64xf32, #tpu.memory_space<hbm>>) target_semaphore(%run_scoped3A_69 : memref<!tpu.dma_semaphore, #tpu.memory_space<semaphore_mem>>)
      %dma_wait3A_75 = arith.constant 0 : i32
      %dma_wait3A_76 = tpu.memref_slice %arg4[%arg0, %mul3A_68, %dma_wait3A_75] : memref<2x10240x128xf32, #tpu.memory_space<hbm>> -> memref<1x640x64xf32, #tpu.memory_space<hbm>>
      %dma_wait3A_77 = tpu.memref_squeeze %dma_wait3A_76 : memref<1x640x64xf32, #tpu.memory_space<hbm>> -> memref<640x64xf32, #tpu.memory_space<hbm>>
      %dma_wait3A_78 = arith.constant 0 : i32
      %dma_wait3A_79 = tpu.memref_slice %arg9[%mul3A_66, %dma_wait3A_78] : memref<10240x64xf32, #tpu.memory_space<vmem_shared>> -> memref<640x64xf32, #tpu.memory_space<vmem_shared>>
      tpu.wait_dma2 semaphore(%run_scoped3A_69 : memref<!tpu.dma_semaphore, #tpu.memory_space<semaphore_mem>>) src(%dma_wait3A_79 : memref<640x64xf32, #tpu.memory_space<vmem_shared>>) dst(%dma_wait3A_77 : memref<640x64xf32, #tpu.memory_space<hbm>>)
      tpu.yield
    }) : () -> ()
    return
  }
}

#map = affine_map<(d0, d1) -> (0, 0)>
#map1 = affine_map<(d0, d1) -> (0, 0, 0)>
module attributes {stable_mosaic.version = 14 : i64} {
  func.func @kernel(%arg0: i32, %arg1: i32, %arg2: memref<2x320000xi32, #tpu.memory_space<hbm>>, %arg3: memref<2x10240x128xf32, #tpu.memory_space<hbm>>, %arg4: memref<10000xi32, #tpu.memory_space<vmem>>, %arg5: memref<2000x16xf32, #tpu.memory_space<vmem>>, %arg6: memref<10240x16xf32, #tpu.memory_space<vmem_shared>>, %arg7: memref<!tpu.dma_semaphore, #tpu.memory_space<semaphore_mem>>) attributes {dimension_semantics = [#tpu.dimension_semantics<core_parallel>, #tpu.dimension_semantics<subcore_parallel>], iteration_bounds = array<i64: 2, 16>, scalar_prefetch = 0 : i64, scratch_operands = 4 : i64, tpu.core_type = #tpu.core_type<sc_vector_subcore>, window_params = [{transform_indices = #map}, {transform_indices = #map1}]} {
    %mul3A = arith.constant 2 : i32
    %mul3A_0 = arith.muli %arg1, %mul3A : i32
    %add3A = arith.addi %mul3A_0, %arg0 : i32
    %mul3A_1 = arith.constant 10000 : i32
    %mul3A_2 = arith.muli %add3A, %mul3A_1 : i32
    %run_scoped3A = arith.constant 1 : i32
    "tpu.region"() ({
      %run_scoped3A_24 = tpu.sem_alloc : memref<!tpu.dma_semaphore, #tpu.memory_space<semaphore_mem>>
      %dma_start3A = tpu.memref_slice %arg2[%run_scoped3A, %mul3A_2] : memref<2x320000xi32, #tpu.memory_space<hbm>> -> memref<1x10000xi32, #tpu.memory_space<hbm>>
      %dma_start3A_25 = tpu.memref_squeeze %dma_start3A : memref<1x10000xi32, #tpu.memory_space<hbm>> -> memref<10000xi32, #tpu.memory_space<hbm>>
      %dma_start3A_26 = tpu.memref_slice %arg2[%run_scoped3A, %mul3A_2] : memref<2x320000xi32, #tpu.memory_space<hbm>> -> memref<1x10000xi32, #tpu.memory_space<hbm>>
      %dma_start3A_27 = tpu.memref_squeeze %dma_start3A_26 : memref<1x10000xi32, #tpu.memory_space<hbm>> -> memref<10000xi32, #tpu.memory_space<hbm>>
      tpu.enqueue_dma source(%dma_start3A_27 : memref<10000xi32, #tpu.memory_space<hbm>>) target(%arg4 : memref<10000xi32, #tpu.memory_space<vmem>>) target_semaphore(%run_scoped3A_24 : memref<!tpu.dma_semaphore, #tpu.memory_space<semaphore_mem>>)
      %dma_wait3A = tpu.memref_slice %arg2[%run_scoped3A, %mul3A_2] : memref<2x320000xi32, #tpu.memory_space<hbm>> -> memref<1x10000xi32, #tpu.memory_space<hbm>>
      %dma_wait3A_28 = tpu.memref_squeeze %dma_wait3A : memref<1x10000xi32, #tpu.memory_space<hbm>> -> memref<10000xi32, #tpu.memory_space<hbm>>
      %dma_wait3A_29 = tpu.memref_slice %arg2[%run_scoped3A, %mul3A_2] : memref<2x320000xi32, #tpu.memory_space<hbm>> -> memref<1x10000xi32, #tpu.memory_space<hbm>>
      %dma_wait3A_30 = tpu.memref_squeeze %dma_wait3A_29 : memref<1x10000xi32, #tpu.memory_space<hbm>> -> memref<10000xi32, #tpu.memory_space<hbm>>
      tpu.wait_dma2 semaphore(%run_scoped3A_24 : memref<!tpu.dma_semaphore, #tpu.memory_space<semaphore_mem>>) src(%dma_wait3A_30 : memref<10000xi32, #tpu.memory_space<hbm>>) dst(%arg4 : memref<10000xi32, #tpu.memory_space<vmem>>)
      tpu.yield
    }) : () -> ()
    %scan3A = arith.constant 0 : i32
    %scan3A_3 = arith.constant 640 : i32
    %scan3A_4 = arith.addi %scan3A, %scan3A_3 : i32
    %scan3A_5 = arith.constant 1 : i32
    scf.for %scan3A_24 = %scan3A to %scan3A_4 step %scan3A_5  : i32 {
      %mul3A_25 = arith.constant 1 : i32
      %mul3A_26 = arith.muli %scan3A_24, %mul3A_25 : i32
      %add3A_27 = arith.constant 0 : i32
      %add3A_28 = arith.addi %add3A_27, %mul3A_26 : i32
      %broadcast_in_dim3A = arith.constant 0.000000e+00 : f32
      %broadcast_in_dim3A_29 = vector.broadcast %broadcast_in_dim3A : f32 to vector<16xf32>
      %swap3A = arith.index_cast %add3A_28 : i32 to index
      %swap3A_30 = arith.constant 0 : index
      %swap3A_31 = tpu.vector_load %arg5[%swap3A, %swap3A_30] {strides = array<i32>} : memref<2000x16xf32, #tpu.memory_space<vmem>>, vector<1x16xf32>,
      %swap3A_32 = vector.shape_cast %swap3A_31 : vector<1x16xf32> to vector<16xf32>
      %swap3A_33 = vector.shape_cast %broadcast_in_dim3A_29 : vector<16xf32> to vector<1x16xf32>
      tpu.vector_store %arg5[%swap3A, %swap3A_30], %swap3A_33 {strides = array<i32>} : memref<2000x16xf32, #tpu.memory_space<vmem>>, vector<1x16xf32>,
    }
    %scan3A_6 = arith.constant 640 : i32
    %mul3A_7 = arith.constant 640 : i32
    %mul3A_8 = arith.muli %arg1, %mul3A_7 : i32
    "tpu.region"() ({
      %run_scoped3A_24 = tpu.sem_alloc : memref<!tpu.dma_semaphore, #tpu.memory_space<semaphore_mem>>
      %dma_start3A = arith.constant 0 : i32
      %dma_start3A_25 = arith.constant 0 : i32
      %dma_start3A_26 = tpu.memref_slice %arg5[%dma_start3A, %dma_start3A_25] : memref<2000x16xf32, #tpu.memory_space<vmem>> -> memref<640x16xf32, #tpu.memory_space<vmem>>
      %dma_start3A_27 = arith.constant 0 : i32
      %dma_start3A_28 = tpu.memref_slice %arg6[%mul3A_8, %dma_start3A_27] : memref<10240x16xf32, #tpu.memory_space<vmem_shared>> -> memref<640x16xf32, #tpu.memory_space<vmem_shared>>
      %dma_start3A_29 = arith.constant 0 : i32
      %dma_start3A_30 = tpu.memref_slice %arg6[%mul3A_8, %dma_start3A_29] : memref<10240x16xf32, #tpu.memory_space<vmem_shared>> -> memref<640x16xf32, #tpu.memory_space<vmem_shared>>
      %dma_start3A_31 = arith.constant 0 : i32
      %dma_start3A_32 = arith.constant 0 : i32
      %dma_start3A_33 = tpu.memref_slice %arg5[%dma_start3A_31, %dma_start3A_32] : memref<2000x16xf32, #tpu.memory_space<vmem>> -> memref<640x16xf32, #tpu.memory_space<vmem>>
      tpu.enqueue_dma source(%dma_start3A_33 : memref<640x16xf32, #tpu.memory_space<vmem>>) target(%dma_start3A_30 : memref<640x16xf32, #tpu.memory_space<vmem_shared>>) target_semaphore(%run_scoped3A_24 : memref<!tpu.dma_semaphore, #tpu.memory_space<semaphore_mem>>)
      %dma_wait3A = arith.constant 0 : i32
      %dma_wait3A_34 = arith.constant 0 : i32
      %dma_wait3A_35 = tpu.memref_slice %arg5[%dma_wait3A, %dma_wait3A_34] : memref<2000x16xf32, #tpu.memory_space<vmem>> -> memref<640x16xf32, #tpu.memory_space<vmem>>
      %dma_wait3A_36 = arith.constant 0 : i32
      %dma_wait3A_37 = tpu.memref_slice %arg6[%mul3A_8, %dma_wait3A_36] : memref<10240x16xf32, #tpu.memory_space<vmem_shared>> -> memref<640x16xf32, #tpu.memory_space<vmem_shared>>
      %dma_wait3A_38 = arith.constant 0 : i32
      %dma_wait3A_39 = tpu.memref_slice %arg6[%mul3A_8, %dma_wait3A_38] : memref<10240x16xf32, #tpu.memory_space<vmem_shared>> -> memref<640x16xf32, #tpu.memory_space<vmem_shared>>
      %dma_wait3A_40 = arith.constant 0 : i32
      %dma_wait3A_41 = arith.constant 0 : i32
      %dma_wait3A_42 = tpu.memref_slice %arg5[%dma_wait3A_40, %dma_wait3A_41] : memref<2000x16xf32, #tpu.memory_space<vmem>> -> memref<640x16xf32, #tpu.memory_space<vmem>>
      tpu.wait_dma2 semaphore(%run_scoped3A_24 : memref<!tpu.dma_semaphore, #tpu.memory_space<semaphore_mem>>) src(%dma_wait3A_42 : memref<640x16xf32, #tpu.memory_space<vmem>>) dst(%dma_wait3A_39 : memref<640x16xf32, #tpu.memory_space<vmem_shared>>)
      tpu.yield
    }) : () -> ()
    %scan3A_9 = arith.constant 0 : i32
    %scan3A_10 = arith.constant 2000 : i32
    %scan3A_11 = arith.addi %scan3A_9, %scan3A_10 : i32
    %scan3A_12 = arith.constant 1 : i32
    scf.for %scan3A_24 = %scan3A_9 to %scan3A_11 step %scan3A_12  : i32 {
      %mul3A_25 = arith.constant 1 : i32
      %mul3A_26 = arith.muli %scan3A_24, %mul3A_25 : i32
      %add3A_27 = arith.constant 0 : i32
      %add3A_28 = arith.addi %add3A_27, %mul3A_26 : i32
      %broadcast_in_dim3A = arith.constant 1.000000e+00 : f32
      %broadcast_in_dim3A_29 = vector.broadcast %broadcast_in_dim3A : f32 to vector<16xf32>
      %swap3A = arith.index_cast %add3A_28 : i32 to index
      %swap3A_30 = arith.constant 0 : index
      %swap3A_31 = tpu.vector_load %arg5[%swap3A, %swap3A_30] {strides = array<i32>} : memref<2000x16xf32, #tpu.memory_space<vmem>>, vector<1x16xf32>,
      %swap3A_32 = vector.shape_cast %swap3A_31 : vector<1x16xf32> to vector<16xf32>
      %swap3A_33 = vector.shape_cast %broadcast_in_dim3A_29 : vector<16xf32> to vector<1x16xf32>
      tpu.vector_store %arg5[%swap3A, %swap3A_30], %swap3A_33 {strides = array<i32>} : memref<2000x16xf32, #tpu.memory_space<vmem>>, vector<1x16xf32>,
    }
    %scan3A_13 = arith.constant 2000 : i32
    %barrier3A = arith.constant 0 : index
    tpu.barrier barrier_id(%barrier3A)
    %scan3A_14 = arith.constant 0 : i32
    %scan3A_15 = arith.constant 5 : i32
    %scan3A_16 = arith.addi %scan3A_14, %scan3A_15 : i32
    %scan3A_17 = arith.constant 1 : i32
    scf.for %scan3A_24 = %scan3A_14 to %scan3A_16 step %scan3A_17  : i32 {
      %mul3A_25 = arith.constant 1 : i32
      %mul3A_26 = arith.muli %scan3A_24, %mul3A_25 : i32
      %add3A_27 = arith.constant 0 : i32
      %add3A_28 = arith.addi %add3A_27, %mul3A_26 : i32
      %mul3A_29 = arith.constant 2000 : i32
      %mul3A_30 = arith.muli %add3A_28, %mul3A_29 : i32
      "tpu.region"() ({
        %run_scoped3A_31 = tpu.sem_alloc : memref<!tpu.dma_semaphore, #tpu.memory_space<semaphore_mem>>
        %dma_start3A = tpu.memref_slice %arg4[%mul3A_30] : memref<10000xi32, #tpu.memory_space<vmem>> -> memref<2000xi32, #tpu.memory_space<vmem>>
        %dma_start3A_32 = arith.constant 0 : i32
        %dma_start3A_33 = arith.constant 0 : i32
        %dma_start3A_34 = tpu.memref_slice %arg6[%dma_start3A_32, %dma_start3A_33] : memref<10240x16xf32, #tpu.memory_space<vmem_shared>> -> memref<10240x16xf32, #tpu.memory_space<vmem_shared>>
        tpu.enqueue_indirect_dma source(%arg5 : memref<2000x16xf32, #tpu.memory_space<vmem>>) target(%dma_start3A_34 : memref<10240x16xf32, #tpu.memory_space<vmem_shared>>) offsets(%dma_start3A : memref<2000xi32, #tpu.memory_space<vmem>>) semaphore(%run_scoped3A_31 : memref<!tpu.dma_semaphore, #tpu.memory_space<semaphore_mem>>) {add = true}
        %dma_wait3A = tpu.memref_slice %arg4[%mul3A_30] : memref<10000xi32, #tpu.memory_space<vmem>> -> memref<2000xi32, #tpu.memory_space<vmem>>
        %dma_wait3A_35 = arith.constant 0 : i32
        %dma_wait3A_36 = arith.constant 0 : i32
        %dma_wait3A_37 = tpu.memref_slice %arg6[%dma_wait3A_35, %dma_wait3A_36] : memref<10240x16xf32, #tpu.memory_space<vmem_shared>> -> memref<10240x16xf32, #tpu.memory_space<vmem_shared>>
        tpu.wait_indirect_dma semaphore(%run_scoped3A_31 : memref<!tpu.dma_semaphore, #tpu.memory_space<semaphore_mem>>) src(%arg5 : memref<2000x16xf32, #tpu.memory_space<vmem>>) dst(%dma_wait3A_37 : memref<10240x16xf32, #tpu.memory_space<vmem_shared>>)
        tpu.yield
      }) : () -> ()
    }
    %scan3A_18 = arith.constant 5 : i32
    %barrier3A_19 = arith.constant 0 : index
    tpu.barrier barrier_id(%barrier3A_19)
    %mul3A_20 = arith.constant 640 : i32
    %mul3A_21 = arith.muli %arg1, %mul3A_20 : i32
    %mul3A_22 = arith.constant 640 : i32
    %mul3A_23 = arith.muli %arg1, %mul3A_22 : i32
    "tpu.region"() ({
      %run_scoped3A_24 = tpu.sem_alloc : memref<!tpu.dma_semaphore, #tpu.memory_space<semaphore_mem>>
      %dma_start3A = arith.constant 0 : i32
      %dma_start3A_25 = tpu.memref_slice %arg3[%arg0, %mul3A_23, %dma_start3A] : memref<2x10240x128xf32, #tpu.memory_space<hbm>> -> memref<1x640x16xf32, #tpu.memory_space<hbm>>
      %dma_start3A_26 = tpu.memref_squeeze %dma_start3A_25 : memref<1x640x16xf32, #tpu.memory_space<hbm>> -> memref<640x16xf32, #tpu.memory_space<hbm>>
      %dma_start3A_27 = arith.constant 0 : i32
      %dma_start3A_28 = tpu.memref_slice %arg6[%mul3A_21, %dma_start3A_27] : memref<10240x16xf32, #tpu.memory_space<vmem_shared>> -> memref<640x16xf32, #tpu.memory_space<vmem_shared>>
      tpu.enqueue_dma source(%dma_start3A_28 : memref<640x16xf32, #tpu.memory_space<vmem_shared>>) target(%dma_start3A_26 : memref<640x16xf32, #tpu.memory_space<hbm>>) target_semaphore(%run_scoped3A_24 : memref<!tpu.dma_semaphore, #tpu.memory_space<semaphore_mem>>)
      %dma_wait3A = arith.constant 0 : i32
      %dma_wait3A_29 = tpu.memref_slice %arg3[%arg0, %mul3A_23, %dma_wait3A] : memref<2x10240x128xf32, #tpu.memory_space<hbm>> -> memref<1x640x16xf32, #tpu.memory_space<hbm>>
      %dma_wait3A_30 = tpu.memref_squeeze %dma_wait3A_29 : memref<1x640x16xf32, #tpu.memory_space<hbm>> -> memref<640x16xf32, #tpu.memory_space<hbm>>
      %dma_wait3A_31 = arith.constant 0 : i32
      %dma_wait3A_32 = tpu.memref_slice %arg6[%mul3A_21, %dma_wait3A_31] : memref<10240x16xf32, #tpu.memory_space<vmem_shared>> -> memref<640x16xf32, #tpu.memory_space<vmem_shared>>
      tpu.wait_dma2 semaphore(%run_scoped3A_24 : memref<!tpu.dma_semaphore, #tpu.memory_space<semaphore_mem>>) src(%dma_wait3A_32 : memref<640x16xf32, #tpu.memory_space<vmem_shared>>) dst(%dma_wait3A_30 : memref<640x16xf32, #tpu.memory_space<hbm>>)
      tpu.yield
    }) : () -> ()
    return
  }
}

module attributes {stable_mosaic.version = 14 : i64} {
  func.func @body(%arg0: memref<10240x128xf32, #tpu.memory_space<vmem>>, %arg1: memref<128x16xf32, #tpu.memory_space<vmem>>, %arg2: memref<2x10240x128xf32, #tpu.memory_space<vmem>>, %arg3: memref<10240x128xf32, #tpu.memory_space<vmem>>, %arg4: memref<10240x16xf32, #tpu.memory_space<vmem>>) attributes {dimension_semantics = [], scalar_prefetch = 0 : i64, scratch_operands = 0 : i64, tpu.core_type = #tpu.core_type<tc>} {
    %get3A = arith.constant 0 : index
    %get3A_0 = arith.constant 0 : index
    %get3A_1 = arith.constant 0 : index
    %get3A_2 = vector.load %arg2[%get3A, %get3A_0, %get3A_1] : memref<2x10240x128xf32, #tpu.memory_space<vmem>>, vector<2x10240x128xf32>
    %slice3A = vector.extract_strided_slice %get3A_2 {offsets = [0, 0, 0], sizes = [1, 10240, 16], strides = [1, 1, 1]} : vector<2x10240x128xf32> to vector<1x10240x16xf32>
    %squeeze3A = vector.shape_cast %slice3A : vector<1x10240x16xf32> to vector<10240x16xf32>
    %slice3A_3 = vector.extract_strided_slice %get3A_2 {offsets = [1, 0, 0], sizes = [1, 10240, 16], strides = [1, 1, 1]} : vector<2x10240x128xf32> to vector<1x10240x16xf32>
    %squeeze3A_4 = vector.shape_cast %slice3A_3 : vector<1x10240x16xf32> to vector<10240x16xf32>
    %add3A = arith.addf %squeeze3A, %squeeze3A_4 : vector<10240x16xf32>
    %add3A_5 = arith.constant 1.000000e+00 : f32
    %add3A_6 = vector.broadcast %add3A_5 : f32 to vector<10240x16xf32>
    %add3A_7 = arith.addf %add3A, %add3A_6 : vector<10240x16xf32>
    %rsqrt3A = math.rsqrt %add3A_7 : vector<10240x16xf32>
    %get3A_8 = arith.constant 0 : index
    %get3A_9 = arith.constant 0 : index
    %get3A_10 = vector.load %arg0[%get3A_8, %get3A_9] : memref<10240x128xf32, #tpu.memory_space<vmem>>, vector<10240x128xf32>
    %get3A_11 = arith.constant 0 : index
    %get3A_12 = arith.constant 0 : index
    %get3A_13 = vector.load %arg1[%get3A_11, %get3A_12] : memref<128x16xf32, #tpu.memory_space<vmem>>, vector<128x16xf32>
    %dot_general3A = arith.constant dense<0.000000e+00> : vector<10240x16xf32>
    %dot_general3A_14 = tpu.matmul %get3A_10, %get3A_13, %dot_general3A {dimension_numbers = #tpu.dot_dimension_numbers<[1], [0], [0], [1], [0, 0, 1, 1], [], []>, transpose_lhs_hint = false} : vector<10240x128xf32>, vector<128x16xf32>, vector<10240x16xf32> -> vector<10240x16xf32>
    %mul3A = arith.mulf %dot_general3A_14, %rsqrt3A : vector<10240x16xf32>
    %swap3A = arith.constant 0 : index
    %swap3A_15 = arith.constant 0 : index
    %swap3A_16 = vector.load %arg3[%swap3A, %swap3A_15] : memref<10240x128xf32, #tpu.memory_space<vmem>>, vector<10240x16xf32>
    tpu.vector_store %arg3[%swap3A, %swap3A_15], %mul3A {strides = array<i32>} : memref<10240x128xf32, #tpu.memory_space<vmem>>, vector<10240x16xf32>,
    %swap3A_17 = arith.constant 0 : index
    %swap3A_18 = arith.constant 0 : index
    %swap3A_19 = vector.load %arg4[%swap3A_17, %swap3A_18] : memref<10240x16xf32, #tpu.memory_space<vmem>>, vector<10240x16xf32>
    tpu.vector_store %arg4[%swap3A_17, %swap3A_18], %rsqrt3A {strides = array<i32>} : memref<10240x16xf32, #tpu.memory_space<vmem>>, vector<10240x16xf32>,
    return
  }
}

module attributes {stable_mosaic.version = 14 : i64} {
  func.func @body(%arg0: memref<2x10240x128xf32, #tpu.memory_space<vmem>>, %arg1: memref<10240x128xf32, #tpu.memory_space<vmem>>, %arg2: memref<10240x16xf32, #tpu.memory_space<vmem>>, %arg3: memref<1x16xf32, #tpu.memory_space<vmem>>, %arg4: memref<16x64xf32, #tpu.memory_space<vmem>>, %arg5: memref<10240x128xf32, #tpu.memory_space<vmem>>) attributes {dimension_semantics = [], scalar_prefetch = 0 : i64, scratch_operands = 0 : i64, tpu.core_type = #tpu.core_type<tc>} {
    %get3A = arith.constant 0 : index
    %get3A_0 = arith.constant 0 : index
    %get3A_1 = arith.constant 0 : index
    %get3A_2 = vector.load %arg0[%get3A, %get3A_0, %get3A_1] : memref<2x10240x128xf32, #tpu.memory_space<vmem>>, vector<2x10240x128xf32>
    %get3A_3 = arith.constant 0 : index
    %get3A_4 = arith.constant 0 : index
    %get3A_5 = vector.load %arg2[%get3A_3, %get3A_4] : memref<10240x16xf32, #tpu.memory_space<vmem>>, vector<10240x16xf32>
    %slice3A = vector.extract_strided_slice %get3A_2 {offsets = [0, 0, 0], sizes = [1, 10240, 16], strides = [1, 1, 1]} : vector<2x10240x128xf32> to vector<1x10240x16xf32>
    %squeeze3A = vector.shape_cast %slice3A : vector<1x10240x16xf32> to vector<10240x16xf32>
    %slice3A_6 = vector.extract_strided_slice %get3A_2 {offsets = [1, 0, 0], sizes = [1, 10240, 16], strides = [1, 1, 1]} : vector<2x10240x128xf32> to vector<1x10240x16xf32>
    %squeeze3A_7 = vector.shape_cast %slice3A_6 : vector<1x10240x16xf32> to vector<10240x16xf32>
    %add3A = arith.addf %squeeze3A, %squeeze3A_7 : vector<10240x16xf32>
    %get3A_8 = arith.constant 0 : index
    %get3A_9 = arith.constant 0 : index
    %get3A_10 = vector.load %arg1[%get3A_8, %get3A_9] : memref<10240x128xf32, #tpu.memory_space<vmem>>, vector<10240x16xf32>
    %add3A_11 = arith.addf %add3A, %get3A_10 : vector<10240x16xf32>
    %mul3A = arith.mulf %add3A_11, %get3A_5 : vector<10240x16xf32>
    %get3A_12 = arith.constant 0 : index
    %get3A_13 = arith.constant 0 : index
    %get3A_14 = vector.load %arg3[%get3A_12, %get3A_13] : memref<1x16xf32, #tpu.memory_space<vmem>>, vector<1x16xf32>
    %add3A_15 = vector.broadcast %get3A_14 : vector<1x16xf32> to vector<10240x16xf32>
    %add3A_16 = arith.addf %mul3A, %add3A_15 : vector<10240x16xf32>
    %max3A = arith.constant 0.000000e+00 : f32
    %max3A_17 = vector.broadcast %max3A : f32 to vector<10240x16xf32>
    %max3A_18 = arith.maximumf %add3A_16, %max3A_17 : vector<10240x16xf32>
    %get3A_19 = arith.constant 0 : index
    %get3A_20 = arith.constant 0 : index
    %get3A_21 = vector.load %arg4[%get3A_19, %get3A_20] : memref<16x64xf32, #tpu.memory_space<vmem>>, vector<16x64xf32>
    %dot_general3A = arith.constant dense<0.000000e+00> : vector<10240x64xf32>
    %dot_general3A_22 = tpu.matmul %max3A_18, %get3A_21, %dot_general3A {dimension_numbers = #tpu.dot_dimension_numbers<[1], [0], [0], [1], [0, 0, 1, 1], [], []>, transpose_lhs_hint = false} : vector<10240x16xf32>, vector<16x64xf32>, vector<10240x64xf32> -> vector<10240x64xf32>
    %slice3A_23 = vector.extract_strided_slice %get3A_5 {offsets = [0, 0], sizes = [10240, 1], strides = [1, 1]} : vector<10240x16xf32> to vector<10240x1xf32>
    %mul3A_24 = vector.broadcast %slice3A_23 : vector<10240x1xf32> to vector<10240x64xf32>
    %mul3A_25 = arith.mulf %dot_general3A_22, %mul3A_24 : vector<10240x64xf32>
    %swap3A = arith.constant 0 : index
    %swap3A_26 = arith.constant 0 : index
    %swap3A_27 = vector.load %arg5[%swap3A, %swap3A_26] : memref<10240x128xf32, #tpu.memory_space<vmem>>, vector<10240x64xf32>
    tpu.vector_store %arg5[%swap3A, %swap3A_26], %mul3A_25 {strides = array<i32>} : memref<10240x128xf32, #tpu.memory_space<vmem>>, vector<10240x64xf32>,
    return
  }
}

module attributes {stable_mosaic.version = 14 : i64} {
  func.func @body(%arg0: memref<2x10240x128xf32, #tpu.memory_space<vmem>>, %arg1: memref<10240x128xf32, #tpu.memory_space<vmem>>, %arg2: memref<10240x16xf32, #tpu.memory_space<vmem>>, %arg3: memref<1x40xf32, #tpu.memory_space<vmem>>, %arg4: memref<10000x40xf32, #tpu.memory_space<vmem>>) attributes {dimension_semantics = [], scalar_prefetch = 0 : i64, scratch_operands = 0 : i64, tpu.core_type = #tpu.core_type<tc>} {
    %get3A = arith.constant 0 : index
    %get3A_0 = arith.constant 0 : index
    %get3A_1 = arith.constant 0 : index
    %get3A_2 = vector.load %arg0[%get3A, %get3A_0, %get3A_1] : memref<2x10240x128xf32, #tpu.memory_space<vmem>>, vector<2x10240x128xf32>
    %slice3A = vector.extract_strided_slice %get3A_2 {offsets = [0, 0, 0], sizes = [1, 10000, 40], strides = [1, 1, 1]} : vector<2x10240x128xf32> to vector<1x10000x40xf32>
    %squeeze3A = vector.shape_cast %slice3A : vector<1x10000x40xf32> to vector<10000x40xf32>
    %slice3A_3 = vector.extract_strided_slice %get3A_2 {offsets = [1, 0, 0], sizes = [1, 10000, 40], strides = [1, 1, 1]} : vector<2x10240x128xf32> to vector<1x10000x40xf32>
    %squeeze3A_4 = vector.shape_cast %slice3A_3 : vector<1x10000x40xf32> to vector<10000x40xf32>
    %add3A = arith.addf %squeeze3A, %squeeze3A_4 : vector<10000x40xf32>
    %get3A_5 = arith.constant 0 : index
    %get3A_6 = arith.constant 0 : index
    %get3A_7 = vector.load %arg1[%get3A_5, %get3A_6] : memref<10240x128xf32, #tpu.memory_space<vmem>>, vector<10000x40xf32>
    %add3A_8 = arith.addf %add3A, %get3A_7 : vector<10000x40xf32>
    %get3A_9 = arith.constant 0 : index
    %get3A_10 = arith.constant 0 : index
    %get3A_11 = vector.load %arg2[%get3A_9, %get3A_10] : memref<10240x16xf32, #tpu.memory_space<vmem>>, vector<10000x1xf32>
    %mul3A = vector.broadcast %get3A_11 : vector<10000x1xf32> to vector<10000x40xf32>
    %mul3A_12 = arith.mulf %add3A_8, %mul3A : vector<10000x40xf32>
    %get3A_13 = arith.constant 0 : index
    %get3A_14 = arith.constant 0 : index
    %get3A_15 = vector.load %arg3[%get3A_13, %get3A_14] : memref<1x40xf32, #tpu.memory_space<vmem>>, vector<1x40xf32>
    %add3A_16 = vector.broadcast %get3A_15 : vector<1x40xf32> to vector<10000x40xf32>
    %add3A_17 = arith.addf %mul3A_12, %add3A_16 : vector<10000x40xf32>
    %reduce_max3A = arith.constant dense<0xFF800000> : vector<10000xf32>
    %reduce_max3A_18 = vector.multi_reduction <maximumf>, %add3A_17, %reduce_max3A [1] : vector<10000x40xf32> to vector<10000xf32>
    %broadcast_in_dim3A = vector.shape_cast %reduce_max3A_18 : vector<10000xf32> to vector<10000x1xf32>
    %sub3A = vector.broadcast %broadcast_in_dim3A : vector<10000x1xf32> to vector<10000x40xf32>
    %sub3A_19 = arith.subf %add3A_17, %sub3A : vector<10000x40xf32>
    %exp3A = math.exp %sub3A_19 : vector<10000x40xf32>
    %reduce_sum3A = arith.constant dense<0.000000e+00> : vector<10000xf32>
    %reduce_sum3A_20 = vector.multi_reduction <add>, %exp3A, %reduce_sum3A [1] : vector<10000x40xf32> to vector<10000xf32>
    %broadcast_in_dim3A_21 = vector.shape_cast %reduce_sum3A_20 : vector<10000xf32> to vector<10000x1xf32>
    %log3A = math.log %broadcast_in_dim3A_21 : vector<10000x1xf32>
    %sub3A_22 = vector.broadcast %broadcast_in_dim3A : vector<10000x1xf32> to vector<10000x40xf32>
    %sub3A_23 = arith.subf %add3A_17, %sub3A_22 : vector<10000x40xf32>
    %sub3A_24 = vector.broadcast %log3A : vector<10000x1xf32> to vector<10000x40xf32>
    %sub3A_25 = arith.subf %sub3A_23, %sub3A_24 : vector<10000x40xf32>
    %swap3A = arith.constant 0 : index
    %swap3A_26 = arith.constant 0 : index
    %swap3A_27 = vector.load %arg4[%swap3A, %swap3A_26] : memref<10000x40xf32, #tpu.memory_space<vmem>>, vector<10000x40xf32>
    tpu.vector_store %arg4[%swap3A, %swap3A_26], %sub3A_25 {strides = array<i32>} : memref<10000x40xf32, #tpu.memory_space<vmem>>, vector<10000x40xf32>,
    return
  }
}

</mosaic_0001>

<sc_bundles>
// kernel: kernel.11.cloned.1.call-start
scs
__scs_entry_jumppad:
0x0: {  	(pc) =	sbr.rel $0x88, $3  }
0x1: {  	(tag) =	ssettag $0x0;
	lr =	simm.s32 $0x1  }
0x2: {  	[smem:$0x3F9B] =	sst lr;
	_ =	strace $0xD0000000  }
0x3: {  	_ = 	snop  }
0x4: {  	_ = 	snop  }
0x5: {  	_ = 	snop  }
0x6: {  	_ = 	snop  }
0x7: {  	_ = 	snop  }
__scs_overlays_trampoline_lowered:
0x8: {  	[smem:$0x3FAA] =	sst s0  }
0x9: {  	[smem:$0x3FAB] =	sst s1  }
0xa: {  	[smem:$0x3FAC] =	sst s2  }
0xb: {  	[smem:$0x3FAD] =	sst s3  }
0xc: {  	[smem:$0x3FAE] =	sst s4  }
0xd: {  	[smem:$0x3FAF] =	sst s5  }
0xe: {  	[smem:$0x3FB0] =	sst s6  }
0xf: {  	[smem:$0x3FB1] =	sst s7  }
0x10: {  	[smem:$0x3FB2] =	sst s8  }
0x11: {  	[smem:$0x3FB3] =	sst s9;
	s0 =	simm.s32 @!p0 $0x0  }
0x12: {  	s1 =	sld [smem:$0x3F99];
	s0 =	simm.s32 @p0 $0x1  }
0x13: {  	[smem:$0x3FB4] =	sst s0;
	s0 =	simm.s32 @!p1 $0x0  }
0x14: {  	s2 =	sld [smem:$0x3F98];
	s0 =	simm.s32 @p1 $0x1  }
0x15: {  	[smem:$0x3FB5] =	sst s0;
	s0 =	simm.s32 @!p2 $0x0  }
0x16: {  	s3 =	sld [smem:$0x3FDB];
	s0 =	simm.s32 @p2 $0x1  }
0x17: {  	s4 =	simm.s32 $0x1BF5;
	[smem:$0x3FB7] =	sst s0  }
0x18: {  	s0 =	sld [smem:$0x3F9A];
	_ =	swait.ge [sflag:s4], $0x0  }
0x19: {  	s7 =	sld [smem:$0x3F9B]  }
0x1a: {  	s8 =	sadd.s32 $0xFFFFE003, lr  }
0x1b: {  	s9 =	sadd.s32 $0xFFFFFEF7, lr;
	s5 =	simm.s32 $0xFFFFFFFF;
	p2 =	slt.u32 s8, $0xFFFFF086  }
0x1c: {  	p1 =	slt.u32 s9, $0xF7A;
	s5 =	simm.s32 @!p2 $0x0  }
0x1d: {  	s5 =	simm.s32 @p1 $0x1;
	p0 =	seq.s32 s7, s2  }
0x1e: {  	s7 =	smul.u32 @!p0 $0xF7A, s2;
	p2 =	seq.s32 @!p0 s5, $0x0  }
0x1f: {  	s9 =	smul.u32 $0xF7A, s1;
	s8 =	simm.s32 @!p0 $0x1BF5;
	p2 =	por !p2, p0  }
0x20: {  	[sflag:s8] =	ssyncset.s32 @!p0 $0xFFFFF086;
	s6 =	sadd.s32 @!p0 s3, s7;
	s7 =	simm.s32 @!p0 $0x108  }
0x21: {  	s3 =	sadd.s32 s3, s9;
	s6 =	sadd.s32 @!p0 $0x88, s6;
	s7 =	simm.s32 @p2 $0x1082  }
0x22: {  	[simem:s7], [sflag:s8] =	dma.local @!p0 [hbm:s6], $0xF7A  }
0x23: {  	s9 =	sor.u32 $0xD0000000, s2;
	s6 =	simm.s32 $0x108;
	_ =	swait.ge @!p0 [sflag:s8], $0x0  }
0x24: {  	s3 =	sadd.s32 $0x88, s3;
	s6 =	simm.s32 @!p1 $0x1082;
	[sflag:s4] =	ssyncset.s32 $0xFFFFF086  }
0x25: {  	[simem:s6], [sflag:s4] =	dma.local [hbm:s3], $0xF7A  }
0x26: {  	[smem:$0x3F9B] =	sst s1;
	(tag) =	ssettag s2;
	_ =	strace s9  }
0x27: {  	s1 =	sld [smem:$0x3FAB]  }
0x28: {  	s2 =	sld [smem:$0x3FAC]  }
0x29: {  	s4 =	sld [smem:$0x3FAE]  }
0x2a: {  	p0 =	seq.s32 s5, $0x0;
	s5 =	sld [smem:$0x3FAF]  }
0x2b: {  	s6 =	sld [smem:$0x3FB0]  }
0x2c: {  	s7 =	sld [smem:$0x3FB1]  }
0x2d: {  	s3 =	simm.s32 $0x108;
	s8 =	sld [smem:$0x3FB2]  }
0x2e: {  	s3 =	simm.s32 @!p0 $0x1082;
	s9 =	sld [smem:$0x3FB3]  }
0x2f: {  	lr =	sadd.s32 s0, s3;
	s0 =	sld [smem:$0x3FAA]  }
0x30: {  	s3 =	sld [smem:$0x3FAD]  }
0x31: {  	[smem:$0x3FB6] =	sst s10  }
0x32: {  	s10 =	sld [smem:$0x3FB4];
	_ =	sdelay $0x3  }
0x33: {  	p0 =	seq.s32 s10, $0x1;
	s10 =	sld [smem:$0x3FB6];
	_ =	sdelay $0x3  }
0x34: {  	[smem:$0x3FB6] =	sst s10  }
0x35: {  	s10 =	sld [smem:$0x3FB5];
	_ =	sdelay $0x3  }
0x36: {  	p1 =	seq.s32 s10, $0x1;
	s10 =	sld [smem:$0x3FB6];
	_ =	sdelay $0x3  }
0x37: {  	[smem:$0x3FB6] =	sst s10  }
0x38: {  	s10 =	sld [smem:$0x3FB7]  }
0x39: {  	_ = 	snop;
	(pc) =	sbr.ind lr, $3  }
0x3a: {  	_ = 	snop  }
0x3b: {  	_ = 	snop  }
0x3c: {  	p2 =	seq.s32 s10, $0x1;
	s10 =	sld [smem:$0x3FB6]  }
0x3d: {  	_ =	shalt  }
0x3e: {  	_ =	shalt  }
0x3f: {  	_ =	shalt  }
0x40: {  	_ =	shalt  }
0x41: {  	_ =	shalt  }
0x42: {  	_ =	shalt  }
0x43: {  	_ =	shalt  }
0x44: {  	_ =	shalt  }
0x45: {  	_ =	shalt  }
0x46: {  	_ =	shalt  }
0x47: {  	_ =	shalt  }
0x48: {  	_ =	shalt  }
0x49: {  	_ =	shalt  }
0x4a: {  	_ =	shalt  }
0x4b: {  	_ =	shalt  }
0x4c: {  	_ =	shalt  }
0x4d: {  	_ =	shalt  }
0x4e: {  	_ =	shalt  }
0x4f: {  	_ =	shalt  }
0x50: {  	_ =	shalt  }
0x51: {  	_ =	shalt  }
0x52: {  	_ =	shalt  }
0x53: {  	_ =	shalt  }
0x54: {  	_ =	shalt  }
0x55: {  	_ =	shalt  }
0x56: {  	_ =	shalt  }
0x57: {  	_ =	shalt  }
0x58: {  	_ =	shalt  }
0x59: {  	_ =	shalt  }
0x5a: {  	_ =	shalt  }
0x5b: {  	_ =	shalt  }
0x5c: {  	_ =	shalt  }
0x5d: {  	_ =	shalt  }
0x5e: {  	_ =	shalt  }
0x5f: {  	_ =	shalt  }
0x60: {  	_ =	shalt  }
0x61: {  	_ =	shalt  }
0x62: {  	_ =	shalt  }
0x63: {  	_ =	shalt  }
0x64: {  	_ =	shalt  }
0x65: {  	_ =	shalt  }
0x66: {  	_ =	shalt  }
0x67: {  	_ =	shalt  }
0x68: {  	_ =	shalt  }
0x69: {  	_ =	shalt  }
0x6a: {  	_ =	shalt  }
0x6b: {  	_ =	shalt  }
0x6c: {  	_ =	shalt  }
0x6d: {  	_ =	shalt  }
0x6e: {  	_ =	shalt  }
0x6f: {  	_ =	shalt  }
0x70: {  	_ =	shalt  }
0x71: {  	_ =	shalt  }
0x72: {  	_ =	shalt  }
0x73: {  	_ =	shalt  }
0x74: {  	_ =	shalt  }
0x75: {  	_ =	shalt  }
0x76: {  	_ =	shalt  }
0x77: {  	_ =	shalt  }
0x78: {  	_ =	shalt  }
0x79: {  	_ =	shalt  }
0x7a: {  	_ =	shalt  }
0x7b: {  	_ =	shalt  }
0x7c: {  	_ =	shalt  }
0x7d: {  	_ =	shalt  }
0x7e: {  	_ =	shalt  }
0x7f: {  	_ =	shalt  }
0x80: {  	_ =	shalt  }
0x81: {  	_ =	shalt  }
0x82: {  	_ =	shalt  }
0x83: {  	_ =	shalt  }
0x84: {  	_ =	shalt  }
0x85: {  	_ =	shalt  }
0x86: {  	_ =	shalt  }
0x87: {  	_ =	shalt  }
.Lfunc_end0:
.L_simem_size_0:
called_computation.1_lowered:
.L_overlay_start_0:
0x88: {  	s2 =	sld [smem:$0x3FD9]  }
0x89: {  	s3 =	sld [smem:$0x3FFE];
	_ =	sdelay $0x1  }
0x8a: {  	s1 =	srdreg.scid  }
0x8b: {  	s0 =	sand.u32 $0x1, s1  }
0x8c: {  	s16 =	sshll.u32 s0, $0xA;
	s2 =	sadd.s32 s3, s2  }
0x8d: {  	s2 =	sadd.s32 s2, s16  }
0x8e: {  	[smem:$0x3FC2] =	sst s2  }
0x8f: {  	_ = 	snop  }
0x90: {  	(tm) =	ssettm $0x1  }
0x91: {  	s17 =	sld [smem:$0x3FFB];
	_ =	sdelay $0x3  }
0x92: {  	_ =	strace s17  }
0x93: {  	s2 =	sld [smem:$0x3FFC];
	_ =	sdelay $0x3  }
0x94: {  	_ =	strace s2  }
0x95: {  	s2 =	sld [smem:$0x3FFD];
	_ =	sdelay $0x3  }
0x96: {  	_ =	strace s2  }
0x97: {  	_ =	strace $0x8FFFFFFF  }
0x98: {  	s18 =	sld [smem:$0x3FDB];
	_ =	sdelay $0x1  }
0x99: {  	s19 =	simm.s32 $_scs_section_size  }
0x9a: {  	s4 =	simm.s32 $_size__tile_overlayer_lowered;
	s5 =	simm.s32 $_tile_overlayer_lowered  }
0x9b: {  	s22 =	simm.s32 $0x1BFF;
	s21 =	sshll.u32 s5, $0x1;
	s2 =	sadd.s32 s19, s18  }
0x9c: {  	s6 =	simm.s32 $0x0;
	s20 =	sshll.u32 s4, $0x1;
	s4 =	sadd.s32 s21, s2  }
0x9d: {  	[timem:s6], [sflag:s22] =	dma.local [hbm:s4], s20  }
0x9e: {  	_ =	swait.ge [sflag:s22], s20  }
0x9f: {  	s3 =	ssub.s32 $0x0, s20;
	[sflag:s22] =	ssyncset.done $0x0  }
0xa0: {  	[sflag:s22] =	ssyncadd.s32 s3;
	_ =	sdelay $0x1  }
0xa1: {  	s23 =	simm.s32 $0x1B8B  }
0xa2: {  	_ =	swait.ge [sflag:s23], $0x1  }
0xa3: {  	[sflag:s23] =	ssyncset.done $0x0  }
0xa4: {  	s25 =	simm.s32 $0x1B8E;
	s24 =	sld [smem:$0x3FFE];
	[sflag:s23] =	ssyncadd.s32 $0xFFFFFFFF  }
0xa5: {  	s26 =	simm.s32 $execute0_lowered;
	[smem:$0x3FD2] =	sst s25  }
0xa6: {  	s4 =	sshll.u32 s26, $0x1;
	_ =	strace $0x80000049;
	[dreg:$0x1] =	wrdreg $0xFFFFFFFF  }
0xa7: {  	s28 =	simm.s32 $_size_execute0_lowered;
	s2 =	sadd.s32 s2, s4;
	[dreg:$0x0] =	wrdreg $0x0  }
0xa8: {  	s4 =	sshll.u32 s28, $0x1;
	[dreg:$0x2] =	wrdreg s2  }
0xa9: {  	[dreg:$0x3] =	wrdreg s4  }
0xaa: {  	[dreg:$0x4] =	wrdreg $0xC0  }
0xab: {  	_ =	task [dreg:s6], $0x5FFFF  }
0xac: {  	[dreg:$0x1] =	wrdreg $0xFFFFFFFF  }
0xad: {  	[dreg:$0x0] =	wrdreg $0x60  }
0xae: {  	[dreg:$0x2] =	wrdreg s24  }
0xaf: {  	[dreg:$0x3] =	wrdreg $0x148200  }
0xb0: {  	[dreg:$0x4] =	wrdreg $0x9  }
0xb1: {  	_ =	task.clear_ibuf [dreg:s6], $0x5FFFF;
	_ =	strace $0x90000049  }
0xb2: {  	s29 =	simm.s32 $0x9;
	_ =	strace $0x8000004B  }
0xb3: {  	_ =	swait.ge [sflag:s29], $0x1  }
0xb4: {  	[sflag:s29] =	ssyncadd.s32 $0xFFFFFFFF  }
0xb5: {  	_ =	strace $0x9000004B  }
0xb6: {  	_ =	sfence  }
0xb7: {  	s30 =	sld [smem:$0x0];
	_ =	sdelay $0x2  }
0xb8: {  	s31 =	sshll.u32 s1, $0xD;
	s1 =	sshrl.u32 s1, $0x2  }
0xb9: {  	s3 =	sand.u32 $0x4000, s31;
	s1 =	sadd.s32 s1, s30  }
0xba: {  	s0 =	sor.u32 s3, s0;
	s1 =	sshll.u32 s1, $0x11  }
0xbb: {  	s0 =	sor.u32 s1, s0  }
0xbc: {  	s0 =	sadd.s32 $0x8F2B, s0  }
0xbd: {  	[sflag:s0] =	ssyncadd.remote.s32 $0x1  }
0xbe: {  	_ =	sfence.sel $0xFFFF  }
0xbf: {  	[dreg:$0x0] =	wrdreg $0xFFFFFFFF;
	(pc) =	sbr.abs _section_cstart, $3  }
0xc0: {  	[dreg:$0x1] =	wrdreg $0xFFFFFFFF  }
0xc1: {  	_ =	task.clear_ibuf [dreg:s6], $0x2FFFF;
	_ =	strace $0x9FFFFFFF  }
0xc2: {  	(tm) =	ssettm $0x7FFFFFFF  }
0xc3: {  	_ =	shalt  }
tec
execute0_lowered:
.L_overlay_start_1:
0x0: {  	(tag) =	ssettag $0x1  }
0x1: {  	s1 =	srdreg.scid;
	s6 =	rddreg [dreg:$0x0]  }
0x2: {  	s0 =	stileid.u32;
	s2 =	rddreg [dreg:$0x1]  }
0x3: {  	s3 =	simm.s32 $0x0;
	s11 =	simm.s32 $0x2710;
	s12 =	simm.s32 $0x4E20  }
0x4: {  	s13 =	simm.s32 $0x7D0;
	s14 =	simm.s32 $0xCB20;
	s15 =	simm.s32 $0x1  }
0x5: {  	s16 =	simm.s32 $0xFA0;
	s17 =	simm.s32 $0x2;
	s18 =	simm.s32 $0x2EE0  }
0x6: {  	s19 =	simm.s32 $0x1770;
	s20 =	simm.s32 $0x36B0;
	s21 =	simm.s32 $0x1F40  }
0x7: {  	s22 =	simm.s32 $0x3E80;
	s23 =	simm.s32 $0x4650;
	s24 =	simm.s32 $0x10  }
0x8: {  	s25 =	simm.s32 $0x0;
	s5 =	sand.u32 $0x1, s1;
	s9 =	smul.u32 $0x14000, s0  }
0x9: {  	s30 =	sshll.u32 s0, $0x1;
	[smem:$0x7FF] =	sst s3;
	s31 =	smul.u32 $0xA000, s0  }
0xa: {  	s4 =	sadd.s32 $0x16000, s6;
	s1 =	sor.u32 s5, s30;
	s8 =	smul.u32 $0x140000, s5  }
0xb: {  	s5 =	ssub.s32 $0x2, s5;
	s7 =	smul.u32 $0x2710, s1;
	s1 =	rddreg [dreg:$0x2]  }
0xc: {  	_ =	strace $0x8000004A;
	s10 =	sshrl.u32 s5, $0x1;
	s8 =	sadd.s32 s9, s8  }
0xd: {  	s10 =	ssub.s32 s5, s10;
	s7 =	sshrl.u32 s7, $0x3;
	s8 =	sshrl.u32 s8, $0x3  }
0xe: {  	s9 =	sshrl.u32 s31, $0x2;
	s7 =	sadd.s32 s7, s6;
	s8 =	sadd.s32 s8, s6  }
0xf: {  	s5 =	sadd.s32 $0x2600, s7;
	s6 =	sadd.s32 $0xC240, s7;
	s7 =	sadd.s32 s9, s2  }
0x10: {  	v0 =	vimm.f32 $0.0e+00;
	s8 =	sadd.s32 $0x3E000, s8;
	s9 =	smax.u32 s10, $0x1;
	s10 =	simm.s32 $0x3  }
.LBB2_1:
0x11: {  	[tilespmem:s3], [sflag:$0x3] =	stream.linear.gather [hbm4b:s5+s3], $0x2710, $0x38;
	[tilespmem:$0x17020] =	vst v63  }
0x12: {  	_ =	swait.ge [sflag:s10], $0x2710  }
0x13: {  	[sflag:s10] =	ssyncset.done $0x0  }
0x14: {  	[sflag:s10] =	ssyncadd.s32 $0xFFFFD8F0  }
0x15: {  	[tilespmem:s11], [sflag:$0x3] =	stream.linear.gather [hbm4b:s6+s3], $0x2710, $0x38;
	[tilespmem:$0x17020] =	vst v63  }
0x16: {  	_ =	swait.ge [sflag:s10], $0x2710  }
0x17: {  	[sflag:s10] =	ssyncset.done $0x0  }
0x18: {  	s26 =	simm.s32 $0x0;
	s28 =	simm.s32 $0x40;
	[sflag:s10] =	ssyncadd.s32 $0xFFFFD8F0  }
.LBB2_2:
0x19: {  	p0 =	sne.s32 s28, $0x9C00;
	v1 =	vld [tilespmem:s26+$0x0];
	_ =	sdelay $0x1  }
.Ltmp0:
0x1a: {  	(pc) =	sbr.rel @p0 .LBB2_2-.Ltmp0, $3  }
0x1b: {  	_ =	sdelay $0x1  }
0x1c: {  	v1 =	vshll.u32 v1, $0x3  }
0x1d: {  	[tilespmem:s26+$0x0] =	vst v1;
	s26 =	sshra.s32 s28, $0x2;
	s28 =	sadd.s32 $0x40, s28  }
0x1e: {  	v1 =	vld [tilespmem:s26+$0x0];
	_ =	sdelay $0x4  }
0x1f: {  	v1 =	vshll.u32 v1, $0x3  }
0x20: {  	s28 =	simm.s32 $0x0;
	[tilespmem:s26+$0x0] =	vst v1;
	s26 =	simm.s32 $0x40  }
.LBB2_4:
0x21: {  	p0 =	sne.s32 s26, $0x9FC0;
	[tilespmem:s28+$0x4E20] =	vst v0;
	s28 =	smov.u32 s26;
	s26 =	sadd.s32 $0x40, s26  }
.Ltmp1:
0x22: {  	(pc) =	sbr.rel @p0 .LBB2_4-.Ltmp1, $2  }
0x23: {  	_ =	sdelay $0x2  }
0x24: {  	s28 =	sshra.s32 s28, $0x2  }
0x25: {  	[tilespmem:s28+$0x4E20] =	vst v0  }
0x26: {  	[spmem:s7] =	stream.linear.scatter [tilespmem:s12], [sflag:$0x3], $0x2800, $0x38;
	[tilespmem:$0x17020] =	vst v63  }
0x27: {  	_ =	swait.ge [sflag:s10], $0x2800  }
0x28: {  	[sflag:s10] =	ssyncset.done $0x0  }
0x29: {  	[sflag:s10] =	ssyncadd.s32 $0xFFFFD800  }
0x2a: {  	[bflag:$0x0] =	sbarrier.arrive $0xFFFF  }
0x2b: {  	[tilespmem:s12], [sflag:$0x1] =	stream.indirect.gather [hbm4b:s4+s13], $0x10, s3, s13, $0xb8;
	[tilespmem:$0x17020] =	vst v63  }
0x2c: {  	_ = 	snop  }
0x2d: {  	[tilespmem:s14], [sflag:$0x2] =	stream.indirect.gather [hbm4b:s4+s13], $0x10, s13, s13, $0xb8;
	[tilespmem:$0x17020] =	vst v63  }
0x2e: {  	_ =	swait.ge [sflag:s15], $0x7D00  }
0x2f: {  	[sflag:s15] =	ssyncset.done $0x0  }
0x30: {  	[sflag:s15] =	ssyncadd.s32 $0xFFFF8300  }
0x31: {  	[spmem:s2] =	stream.indirect.scatter.add.f32 [tilespmem:s12], [sflag:$0x3], $0x10, s11, s13, $0xb8;
	[tilespmem:$0x17020] =	vst v63  }
0x32: {  	_ =	swait.ge [sflag:s10], $0x7D00  }
0x33: {  	[sflag:s10] =	ssyncset.done $0x0  }
0x34: {  	[sflag:s10] =	ssyncadd.s32 $0xFFFF8300  }
0x35: {  	[tilespmem:s12], [sflag:$0x1] =	stream.indirect.gather [hbm4b:s4+s13], $0x10, s16, s13, $0xb8;
	[tilespmem:$0x17020] =	vst v63  }
0x36: {  	_ =	swait.ge [sflag:s17], $0x7D00  }
0x37: {  	[sflag:s17] =	ssyncset.done $0x0  }
0x38: {  	[sflag:s17] =	ssyncadd.s32 $0xFFFF8300  }
0x39: {  	[spmem:s2] =	stream.indirect.scatter.add.f32 [tilespmem:s14], [sflag:$0x3], $0x10, s18, s13, $0xb8;
	[tilespmem:$0x17020] =	vst v63  }
0x3a: {  	_ =	swait.ge [sflag:s10], $0x7D00  }
0x3b: {  	[sflag:s10] =	ssyncset.done $0x0  }
0x3c: {  	[sflag:s10] =	ssyncadd.s32 $0xFFFF8300  }
0x3d: {  	[tilespmem:s14], [sflag:$0x2] =	stream.indirect.gather [hbm4b:s4+s13], $0x10, s19, s13, $0xb8;
	[tilespmem:$0x17020] =	vst v63  }
0x3e: {  	_ =	swait.ge [sflag:s15], $0x7D00  }
0x3f: {  	[sflag:s15] =	ssyncset.done $0x0  }
0x40: {  	[sflag:s15] =	ssyncadd.s32 $0xFFFF8300  }
0x41: {  	[spmem:s2] =	stream.indirect.scatter.add.f32 [tilespmem:s12], [sflag:$0x3], $0x10, s20, s13, $0xb8;
	[tilespmem:$0x17020] =	vst v63  }
0x42: {  	_ =	swait.ge [sflag:s10], $0x7D00  }
0x43: {  	[sflag:s10] =	ssyncset.done $0x0  }
0x44: {  	[sflag:s10] =	ssyncadd.s32 $0xFFFF8300  }
0x45: {  	[tilespmem:s12], [sflag:$0x1] =	stream.indirect.gather [hbm4b:s4+s13], $0x10, s21, s13, $0xb8;
	[tilespmem:$0x17020] =	vst v63  }
0x46: {  	_ =	swait.ge [sflag:s17], $0x7D00  }
0x47: {  	[sflag:s17] =	ssyncset.done $0x0  }
0x48: {  	[sflag:s17] =	ssyncadd.s32 $0xFFFF8300  }
0x49: {  	[spmem:s2] =	stream.indirect.scatter.add.f32 [tilespmem:s14], [sflag:$0x3], $0x10, s22, s13, $0xb8;
	[tilespmem:$0x17020] =	vst v63  }
0x4a: {  	_ =	swait.ge [sflag:s10], $0x7D00  }
0x4b: {  	[sflag:s10] =	ssyncset.done $0x0  }
0x4c: {  	[sflag:s10] =	ssyncadd.s32 $0xFFFF8300  }
0x4d: {  	_ =	swait.ge [sflag:s15], $0x7D00  }
0x4e: {  	[sflag:s15] =	ssyncset.done $0x0  }
0x4f: {  	[sflag:s15] =	ssyncadd.s32 $0xFFFF8300  }
0x50: {  	[spmem:s2] =	stream.indirect.scatter.add.f32 [tilespmem:s12], [sflag:$0x3], $0x10, s23, s13, $0xb8;
	[tilespmem:$0x17020] =	vst v63  }
0x51: {  	_ =	swait.ge [sflag:s10], $0x7D00  }
0x52: {  	s26 =	sshll.u32 s0, $0x6;
	s25 =	sadd.s32 $0x1, s25;
	[sflag:s10] =	ssyncset.done $0x0  }
0x53: {  	s31 =	sshrl.u32 s7, $0x3;
	p0 =	sne.s32 s25, s9;
	[sflag:s10] =	ssyncadd.s32 $0xFFFF8300  }
.Ltmp2:
0x54: {  	s26 =	sor.u32 $0x1C03, s26;
	[bflag:$0x0] =	sbarrier.arrive $0xFFFF;
	(pc) =	sbr.rel @p0 .LBB2_1-.Ltmp2, $4  }
0x55: {  	[hbm:s8@s24], [sflag:s26] =	dma.strided [spmem:s31@s17], $0x500, s15, $0x2   }
0x56: {  	_ =	swait.ge [sflag:s10], $0x500  }
0x57: {  	[sflag:s10] =	ssyncset.done $0x0  }
0x58: {  	[sflag:s10] =	ssyncadd.s32 $0xFFFFFB00  }
0x59: {  	_ =	sfence.sel $0x180000  }
0x5a: {  	[bflag:$0x0] =	sbarrier.arrive $0xFFFF  }
0x5b: {  	p0 =	sne.s32 s0, $0x0;
	_ =	strace $0x9000004A  }
0x5c: {  	s0 =	sadd.s32 @!p0 $0x100000, s1;
	[bflag:$0x2] =	sbarrier.arrive $0xFFFF  }
0x5d: {  	[sflag:s0] =	ssyncadd.tile.s32 @!p0 $0x1;
	_ =	shalt  }
.Lfunc_end2:
_tile_overlayer_lowered:
.L_overlay_start_2:
0x5e: {  	(tag) =	ssettag $0x2  }
0x5f: {  	s0 =	rddreg [dreg:$0x0];
	s2 =	stileid.u32  }
0x60: {  	s1 =	rddreg [dreg:$0x1];
	p0 =	sne.s32 s2, $0x0  }
0x61: {  	s3 =	rddreg [dreg:$0x2];
	[bflag:$0x3] =	sbarrier.arrive $0xFFFF;
	s2 =	simm.s32 @!p0 $0x1C03  }
0x62: {  	[timem:s3], [sflag:s2] =	dma.local @!p0 [hbm:s0], s1  }
0x63: {  	s0 =	simm.s32 @!p0 $0x3  }
0x64: {  	_ =	swait.ge @!p0 [sflag:s0], s1  }
0x65: {  	s1 =	ssub.s32 @!p0 $0x0, s1;
	[sflag:s0] =	ssyncset.done @!p0 $0x0  }
0x66: {  	[sflag:s0] =	ssyncadd.s32 @!p0 s1  }
0x67: {  	[bflag:$0x3] =	sbarrier.arrive $0xFFFF  }
0x68: {  	_ =	shalt  }

// kernel: kernel.14.cloned.1.call-start
scs
__scs_entry_jumppad:
0x0: {  	(pc) =	sbr.rel $0x88, $3  }
0x1: {  	(tag) =	ssettag $0x0;
	lr =	simm.s32 $0x1  }
0x2: {  	[smem:$0x3F9B] =	sst lr;
	_ =	strace $0xD0000000  }
0x3: {  	_ = 	snop  }
0x4: {  	_ = 	snop  }
0x5: {  	_ = 	snop  }
0x6: {  	_ = 	snop  }
0x7: {  	_ = 	snop  }
__scs_overlays_trampoline_lowered:
0x8: {  	[smem:$0x3FAA] =	sst s0  }
0x9: {  	[smem:$0x3FAB] =	sst s1  }
0xa: {  	[smem:$0x3FAC] =	sst s2  }
0xb: {  	[smem:$0x3FAD] =	sst s3  }
0xc: {  	[smem:$0x3FAE] =	sst s4  }
0xd: {  	[smem:$0x3FAF] =	sst s5  }
0xe: {  	[smem:$0x3FB0] =	sst s6  }
0xf: {  	[smem:$0x3FB1] =	sst s7  }
0x10: {  	[smem:$0x3FB2] =	sst s8  }
0x11: {  	[smem:$0x3FB3] =	sst s9;
	s0 =	simm.s32 @!p0 $0x0  }
0x12: {  	s1 =	sld [smem:$0x3F99];
	s0 =	simm.s32 @p0 $0x1  }
0x13: {  	[smem:$0x3FB4] =	sst s0;
	s0 =	simm.s32 @!p1 $0x0  }
0x14: {  	s2 =	sld [smem:$0x3F98];
	s0 =	simm.s32 @p1 $0x1  }
0x15: {  	[smem:$0x3FB5] =	sst s0;
	s0 =	simm.s32 @!p2 $0x0  }
0x16: {  	s3 =	sld [smem:$0x3FDB];
	s0 =	simm.s32 @p2 $0x1  }
0x17: {  	s4 =	simm.s32 $0x1BF5;
	[smem:$0x3FB7] =	sst s0  }
0x18: {  	s0 =	sld [smem:$0x3F9A];
	_ =	swait.ge [sflag:s4], $0x0  }
0x19: {  	s7 =	sld [smem:$0x3F9B]  }
0x1a: {  	s8 =	sadd.s32 $0xFFFFE003, lr  }
0x1b: {  	s9 =	sadd.s32 $0xFFFFFEF7, lr;
	s5 =	simm.s32 $0xFFFFFFFF;
	p2 =	slt.u32 s8, $0xFFFFF086  }
0x1c: {  	p1 =	slt.u32 s9, $0xF7A;
	s5 =	simm.s32 @!p2 $0x0  }
0x1d: {  	s5 =	simm.s32 @p1 $0x1;
	p0 =	seq.s32 s7, s2  }
0x1e: {  	s7 =	smul.u32 @!p0 $0xF7A, s2;
	p2 =	seq.s32 @!p0 s5, $0x0  }
0x1f: {  	s9 =	smul.u32 $0xF7A, s1;
	s8 =	simm.s32 @!p0 $0x1BF5;
	p2 =	por !p2, p0  }
0x20: {  	[sflag:s8] =	ssyncset.s32 @!p0 $0xFFFFF086;
	s6 =	sadd.s32 @!p0 s3, s7;
	s7 =	simm.s32 @!p0 $0x108  }
0x21: {  	s3 =	sadd.s32 s3, s9;
	s6 =	sadd.s32 @!p0 $0x88, s6;
	s7 =	simm.s32 @p2 $0x1082  }
0x22: {  	[simem:s7], [sflag:s8] =	dma.local @!p0 [hbm:s6], $0xF7A  }
0x23: {  	s9 =	sor.u32 $0xD0000000, s2;
	s6 =	simm.s32 $0x108;
	_ =	swait.ge @!p0 [sflag:s8], $0x0  }
0x24: {  	s3 =	sadd.s32 $0x88, s3;
	s6 =	simm.s32 @!p1 $0x1082;
	[sflag:s4] =	ssyncset.s32 $0xFFFFF086  }
0x25: {  	[simem:s6], [sflag:s4] =	dma.local [hbm:s3], $0xF7A  }
0x26: {  	[smem:$0x3F9B] =	sst s1;
	(tag) =	ssettag s2;
	_ =	strace s9  }
0x27: {  	s1 =	sld [smem:$0x3FAB]  }
0x28: {  	s2 =	sld [smem:$0x3FAC]  }
0x29: {  	s4 =	sld [smem:$0x3FAE]  }
0x2a: {  	p0 =	seq.s32 s5, $0x0;
	s5 =	sld [smem:$0x3FAF]  }
0x2b: {  	s6 =	sld [smem:$0x3FB0]  }
0x2c: {  	s7 =	sld [smem:$0x3FB1]  }
0x2d: {  	s3 =	simm.s32 $0x108;
	s8 =	sld [smem:$0x3FB2]  }
0x2e: {  	s3 =	simm.s32 @!p0 $0x1082;
	s9 =	sld [smem:$0x3FB3]  }
0x2f: {  	lr =	sadd.s32 s0, s3;
	s0 =	sld [smem:$0x3FAA]  }
0x30: {  	s3 =	sld [smem:$0x3FAD]  }
0x31: {  	[smem:$0x3FB6] =	sst s10  }
0x32: {  	s10 =	sld [smem:$0x3FB4];
	_ =	sdelay $0x3  }
0x33: {  	p0 =	seq.s32 s10, $0x1;
	s10 =	sld [smem:$0x3FB6];
	_ =	sdelay $0x3  }
0x34: {  	[smem:$0x3FB6] =	sst s10  }
0x35: {  	s10 =	sld [smem:$0x3FB5];
	_ =	sdelay $0x3  }
0x36: {  	p1 =	seq.s32 s10, $0x1;
	s10 =	sld [smem:$0x3FB6];
	_ =	sdelay $0x3  }
0x37: {  	[smem:$0x3FB6] =	sst s10  }
0x38: {  	s10 =	sld [smem:$0x3FB7]  }
0x39: {  	_ = 	snop;
	(pc) =	sbr.ind lr, $3  }
0x3a: {  	_ = 	snop  }
0x3b: {  	_ = 	snop  }
0x3c: {  	p2 =	seq.s32 s10, $0x1;
	s10 =	sld [smem:$0x3FB6]  }
0x3d: {  	_ =	shalt  }
0x3e: {  	_ =	shalt  }
0x3f: {  	_ =	shalt  }
0x40: {  	_ =	shalt  }
0x41: {  	_ =	shalt  }
0x42: {  	_ =	shalt  }
0x43: {  	_ =	shalt  }
0x44: {  	_ =	shalt  }
0x45: {  	_ =	shalt  }
0x46: {  	_ =	shalt  }
0x47: {  	_ =	shalt  }
0x48: {  	_ =	shalt  }
0x49: {  	_ =	shalt  }
0x4a: {  	_ =	shalt  }
0x4b: {  	_ =	shalt  }
0x4c: {  	_ =	shalt  }
0x4d: {  	_ =	shalt  }
0x4e: {  	_ =	shalt  }
0x4f: {  	_ =	shalt  }
0x50: {  	_ =	shalt  }
0x51: {  	_ =	shalt  }
0x52: {  	_ =	shalt  }
0x53: {  	_ =	shalt  }
0x54: {  	_ =	shalt  }
0x55: {  	_ =	shalt  }
0x56: {  	_ =	shalt  }
0x57: {  	_ =	shalt  }
0x58: {  	_ =	shalt  }
0x59: {  	_ =	shalt  }
0x5a: {  	_ =	shalt  }
0x5b: {  	_ =	shalt  }
0x5c: {  	_ =	shalt  }
0x5d: {  	_ =	shalt  }
0x5e: {  	_ =	shalt  }
0x5f: {  	_ =	shalt  }
0x60: {  	_ =	shalt  }
0x61: {  	_ =	shalt  }
0x62: {  	_ =	shalt  }
0x63: {  	_ =	shalt  }
0x64: {  	_ =	shalt  }
0x65: {  	_ =	shalt  }
0x66: {  	_ =	shalt  }
0x67: {  	_ =	shalt  }
0x68: {  	_ =	shalt  }
0x69: {  	_ =	shalt  }
0x6a: {  	_ =	shalt  }
0x6b: {  	_ =	shalt  }
0x6c: {  	_ =	shalt  }
0x6d: {  	_ =	shalt  }
0x6e: {  	_ =	shalt  }
0x6f: {  	_ =	shalt  }
0x70: {  	_ =	shalt  }
0x71: {  	_ =	shalt  }
0x72: {  	_ =	shalt  }
0x73: {  	_ =	shalt  }
0x74: {  	_ =	shalt  }
0x75: {  	_ =	shalt  }
0x76: {  	_ =	shalt  }
0x77: {  	_ =	shalt  }
0x78: {  	_ =	shalt  }
0x79: {  	_ =	shalt  }
0x7a: {  	_ =	shalt  }
0x7b: {  	_ =	shalt  }
0x7c: {  	_ =	shalt  }
0x7d: {  	_ =	shalt  }
0x7e: {  	_ =	shalt  }
0x7f: {  	_ =	shalt  }
0x80: {  	_ =	shalt  }
0x81: {  	_ =	shalt  }
0x82: {  	_ =	shalt  }
0x83: {  	_ =	shalt  }
0x84: {  	_ =	shalt  }
0x85: {  	_ =	shalt  }
0x86: {  	_ =	shalt  }
0x87: {  	_ =	shalt  }
.Lfunc_end0:
.L_simem_size_0:
called_computation.2_lowered:
.L_overlay_start_0:
0x88: {  	s2 =	sld [smem:$0x3FD9]  }
0x89: {  	s3 =	sld [smem:$0x3FFE];
	_ =	sdelay $0x1  }
0x8a: {  	s1 =	srdreg.scid  }
0x8b: {  	s0 =	sand.u32 $0x1, s1  }
0x8c: {  	s16 =	sshll.u32 s0, $0xA;
	s2 =	sadd.s32 s3, s2  }
0x8d: {  	s2 =	sadd.s32 s2, s16  }
0x8e: {  	[smem:$0x3FC2] =	sst s2  }
0x8f: {  	_ = 	snop  }
0x90: {  	(tm) =	ssettm $0x1  }
0x91: {  	s17 =	sld [smem:$0x3FFB];
	_ =	sdelay $0x3  }
0x92: {  	_ =	strace s17  }
0x93: {  	s2 =	sld [smem:$0x3FFC];
	_ =	sdelay $0x3  }
0x94: {  	_ =	strace s2  }
0x95: {  	s2 =	sld [smem:$0x3FFD];
	_ =	sdelay $0x3  }
0x96: {  	_ =	strace s2  }
0x97: {  	_ =	strace $0x8FFFFFFF  }
0x98: {  	s18 =	sld [smem:$0x3FDB];
	_ =	sdelay $0x1  }
0x99: {  	s19 =	simm.s32 $_scs_section_size  }
0x9a: {  	s4 =	simm.s32 $_size__tile_overlayer_lowered;
	s5 =	simm.s32 $_tile_overlayer_lowered  }
0x9b: {  	s22 =	simm.s32 $0x1BFF;
	s21 =	sshll.u32 s5, $0x1;
	s2 =	sadd.s32 s19, s18  }
0x9c: {  	s6 =	simm.s32 $0x0;
	s20 =	sshll.u32 s4, $0x1;
	s4 =	sadd.s32 s21, s2  }
0x9d: {  	[timem:s6], [sflag:s22] =	dma.local [hbm:s4], s20  }
0x9e: {  	_ =	swait.ge [sflag:s22], s20  }
0x9f: {  	s3 =	ssub.s32 $0x0, s20;
	[sflag:s22] =	ssyncset.done $0x0  }
0xa0: {  	[sflag:s22] =	ssyncadd.s32 s3;
	_ =	sdelay $0x1  }
0xa1: {  	s23 =	simm.s32 $0x1B8B  }
0xa2: {  	_ =	swait.ge [sflag:s23], $0x1  }
0xa3: {  	[sflag:s23] =	ssyncset.done $0x0  }
0xa4: {  	s25 =	simm.s32 $0x1B8E;
	s24 =	sld [smem:$0x3FFE];
	[sflag:s23] =	ssyncadd.s32 $0xFFFFFFFF  }
0xa5: {  	s26 =	simm.s32 $execute0_lowered;
	[smem:$0x3FD2] =	sst s25  }
0xa6: {  	s4 =	sshll.u32 s26, $0x1;
	_ =	strace $0x8000004C;
	[dreg:$0x1] =	wrdreg $0xFFFFFFFF  }
0xa7: {  	s28 =	simm.s32 $_size_execute0_lowered;
	s2 =	sadd.s32 s2, s4;
	[dreg:$0x0] =	wrdreg $0x0  }
0xa8: {  	s4 =	sshll.u32 s28, $0x1;
	[dreg:$0x2] =	wrdreg s2  }
0xa9: {  	[dreg:$0x3] =	wrdreg s4  }
0xaa: {  	[dreg:$0x4] =	wrdreg $0xC0  }
0xab: {  	_ =	task [dreg:s6], $0x5FFFF  }
0xac: {  	[dreg:$0x1] =	wrdreg $0xFFFFFFFF  }
0xad: {  	[dreg:$0x0] =	wrdreg $0x60  }
0xae: {  	[dreg:$0x2] =	wrdreg s24  }
0xaf: {  	[dreg:$0x3] =	wrdreg $0x116200  }
0xb0: {  	[dreg:$0x4] =	wrdreg $0x9  }
0xb1: {  	_ =	task.clear_ibuf [dreg:s6], $0x5FFFF;
	_ =	strace $0x9000004C  }
0xb2: {  	s29 =	simm.s32 $0x9;
	_ =	strace $0x8000004E  }
0xb3: {  	_ =	swait.ge [sflag:s29], $0x1  }
0xb4: {  	[sflag:s29] =	ssyncadd.s32 $0xFFFFFFFF  }
0xb5: {  	_ =	strace $0x9000004E  }
0xb6: {  	_ =	sfence  }
0xb7: {  	s30 =	sld [smem:$0x0];
	_ =	sdelay $0x2  }
0xb8: {  	s31 =	sshll.u32 s1, $0xD;
	s1 =	sshrl.u32 s1, $0x2  }
0xb9: {  	s3 =	sand.u32 $0x4000, s31;
	s1 =	sadd.s32 s1, s30  }
0xba: {  	s0 =	sor.u32 s3, s0;
	s1 =	sshll.u32 s1, $0x11  }
0xbb: {  	s0 =	sor.u32 s1, s0  }
0xbc: {  	s0 =	sadd.s32 $0x8F2B, s0  }
0xbd: {  	[sflag:s0] =	ssyncadd.remote.s32 $0x1  }
0xbe: {  	_ =	sfence.sel $0xFFFF  }
0xbf: {  	[dreg:$0x0] =	wrdreg $0xFFFFFFFF;
	(pc) =	sbr.abs _section_cstart, $3  }
0xc0: {  	[dreg:$0x1] =	wrdreg $0xFFFFFFFF  }
0xc1: {  	_ =	task.clear_ibuf [dreg:s6], $0x2FFFF;
	_ =	strace $0x9FFFFFFF  }
0xc2: {  	(tm) =	ssettm $0x7FFFFFFF  }
0xc3: {  	_ =	shalt  }
tec
execute0_lowered:
.L_overlay_start_1:
0x0: {  	(tag) =	ssettag $0x1  }
0x1: {  	s1 =	srdreg.scid;
	s5 =	rddreg [dreg:$0x0]  }
0x2: {  	s0 =	stileid.u32;
	s2 =	rddreg [dreg:$0x1];
	s3 =	simm.s32 $0x0  }
0x3: {  	s13 =	simm.s32 $0x3;
	s14 =	simm.s32 $0x2710;
	s15 =	simm.s32 $0x4E20  }
0x4: {  	s16 =	simm.s32 $0x190;
	s17 =	simm.s32 $0xB220;
	s18 =	simm.s32 $0x1  }
0x5: {  	s19 =	simm.s32 $0x2;
	s20 =	simm.s32 $0x4970;
	s21 =	simm.s32 $0x2580  }
0x6: {  	s22 =	simm.s32 $0x4B00;
	s23 =	simm.s32 $0x4C90;
	s24 =	simm.s32 $0x10  }
0x7: {  	s25 =	simm.s32 $0x8;
	s26 =	simm.s32 $0x0;
	s6 =	sand.u32 $0x1, s1  }
0x8: {  	s30 =	sshll.u32 s0, $0x1;
	s1 =	rddreg [dreg:$0x2];
	s9 =	smul.u32 $0x14000, s0  }
0x9: {  	[smem:$0x7FF] =	sst s3;
	s10 =	smul.u32 $0x28000, s0;
	s4 =	sor.u32 s6, s30  }
0xa: {  	s8 =	smul.u32 $0x140000, s6;
	_ =	strace $0x8000004D;
	s6 =	ssub.s32 $0x2, s6  }
0xb: {  	s7 =	smul.u32 $0x2710, s4;
	s4 =	sadd.s32 $0x16000, s5;
	s31 =	sshrl.u32 s6, $0x1  }
0xc: {  	s10 =	sshrl.u32 s10, $0x2;
	s8 =	sadd.s32 s9, s8;
	s12 =	ssub.s32 s6, s31  }
0xd: {  	s7 =	sshrl.u32 s7, $0x3;
	s8 =	sshrl.u32 s8, $0x3;
	s12 =	smax.u32 s12, $0x1  }
0xe: {  	s7 =	sadd.s32 s7, s5;
	s11 =	sadd.s32 s8, s5;
	s5 =	sadd.s32 s10, s2  }
0xf: {  	s6 =	sadd.s32 $0x2600, s7;
	s7 =	sadd.s32 $0xC240, s7;
	s8 =	sadd.s32 $0x2800, s5  }
0x10: {  	v0 =	vimm.f32 $0.0e+00;
	s9 =	sadd.s32 $0x5000, s5;
	s10 =	sadd.s32 $0x7800, s5;
	s11 =	sadd.s32 $0x3E000, s11  }
.LBB2_1:
0x11: {  	[tilespmem:s3], [sflag:$0x3] =	stream.linear.gather [hbm4b:s6+s3], $0x2710, $0x38;
	[tilespmem:$0x1B620] =	vst v63  }
0x12: {  	_ =	swait.ge [sflag:s13], $0x2710  }
0x13: {  	[sflag:s13] =	ssyncset.done $0x0  }
0x14: {  	[sflag:s13] =	ssyncadd.s32 $0xFFFFD8F0  }
0x15: {  	[tilespmem:s14], [sflag:$0x3] =	stream.linear.gather [hbm4b:s7+s3], $0x2710, $0x38;
	[tilespmem:$0x1B620] =	vst v63  }
0x16: {  	_ =	swait.ge [sflag:s13], $0x2710  }
0x17: {  	[sflag:s13] =	ssyncset.done $0x0  }
0x18: {  	s28 =	simm.s32 $0x0;
	s29 =	simm.s32 $0x40;
	[sflag:s13] =	ssyncadd.s32 $0xFFFFD8F0  }
.LBB2_2:
0x19: {  	p0 =	sne.s32 s29, $0x9C00;
	v1 =	vld [tilespmem:s28+$0x0];
	_ =	sdelay $0x1  }
.Ltmp0:
0x1a: {  	(pc) =	sbr.rel @p0 .LBB2_2-.Ltmp0, $3  }
0x1b: {  	_ =	sdelay $0x1  }
0x1c: {  	v1 =	vshll.u32 v1, $0x1  }
0x1d: {  	[tilespmem:s28+$0x0] =	vst v1;
	s28 =	sshra.s32 s29, $0x2;
	s29 =	sadd.s32 $0x40, s29  }
0x1e: {  	v1 =	vld [tilespmem:s28+$0x0];
	_ =	sdelay $0x4  }
0x1f: {  	v1 =	vshll.u32 v1, $0x1  }
0x20: {  	s29 =	simm.s32 $0x100;
	[tilespmem:s28+$0x0] =	vst v1;
	s28 =	simm.s32 $0x0  }
.LBB2_4:
0x21: {  	p0 =	sne.s32 s29, $0x9F00;
	[tilespmem:s28+$0x4E50] =	vst v0;
	s30 =	smov.u32 s29;
	s29 =	sadd.s32 $0x100, s29  }
.Ltmp1:
0x22: {  	[tilespmem:s28+$0x4E40] =	vst v0;
	(pc) =	sbr.rel @p0 .LBB2_4-.Ltmp1, $3  }
0x23: {  	[tilespmem:s28+$0x4E20] =	vst v0  }
0x24: {  	[tilespmem:s28+$0x4E30] =	vst v0;
	_ =	sdelay $0x1  }
0x25: {  	s28 =	sshra.s32 s30, $0x2  }
0x26: {  	[tilespmem:s28+$0x4E50] =	vst v0  }
0x27: {  	[tilespmem:s28+$0x4E40] =	vst v0  }
0x28: {  	[tilespmem:s28+$0x4E20] =	vst v0  }
0x29: {  	[tilespmem:s28+$0x4E30] =	vst v0  }
0x2a: {  	[spmem:s5] =	stream.linear.scatter [tilespmem:s15], [sflag:$0x3], $0x2800, $0x38;
	[tilespmem:$0x1B620] =	vst v63  }
0x2b: {  	_ =	swait.ge [sflag:s13], $0x2800  }
0x2c: {  	[sflag:s13] =	ssyncset.done $0x0  }
0x2d: {  	[sflag:s13] =	ssyncadd.s32 $0xFFFFD800  }
0x2e: {  	[spmem:s8] =	stream.linear.scatter [tilespmem:s15], [sflag:$0x3], $0x2800, $0x38;
	[tilespmem:$0x1B620] =	vst v63  }
0x2f: {  	_ =	swait.ge [sflag:s13], $0x2800  }
0x30: {  	[sflag:s13] =	ssyncset.done $0x0  }
0x31: {  	[sflag:s13] =	ssyncadd.s32 $0xFFFFD800  }
0x32: {  	[spmem:s9] =	stream.linear.scatter [tilespmem:s15], [sflag:$0x3], $0x2800, $0x38;
	[tilespmem:$0x1B620] =	vst v63  }
0x33: {  	_ =	swait.ge [sflag:s13], $0x2800  }
0x34: {  	[sflag:s13] =	ssyncset.done $0x0  }
0x35: {  	[sflag:s13] =	ssyncadd.s32 $0xFFFFD800  }
0x36: {  	[spmem:s10] =	stream.linear.scatter [tilespmem:s15], [sflag:$0x3], $0x2800, $0x38;
	[tilespmem:$0x1B620] =	vst v63  }
0x37: {  	_ =	swait.ge [sflag:s13], $0x2800  }
0x38: {  	[sflag:s13] =	ssyncset.done $0x0  }
0x39: {  	[sflag:s13] =	ssyncadd.s32 $0xFFFFD800  }
0x3a: {  	s28 =	simm.s32 $0x0;
	[bflag:$0x0] =	sbarrier.arrive $0xFFFF  }
0x3b: {  	[tilespmem:s15], [sflag:$0x1] =	stream.indirect.gather [hbm4b:s4+s16], $0x40, s28, s16, $0xb8;
	[tilespmem:$0x1B620] =	vst v63  }
0x3c: {  	_ = 	snop  }
0x3d: {  	[tilespmem:s17], [sflag:$0x2] =	stream.indirect.gather [hbm4b:s4+s16], $0x40, s16, s16, $0xb8;
	[tilespmem:$0x1B620] =	vst v63  }
0x3e: {  	_ =	swait.ge [sflag:s18], $0x6400  }
0x3f: {  	[sflag:s18] =	ssyncset.done $0x0  }
0x40: {  	s28 =	simm.s32 $0x2710;
	[sflag:s18] =	ssyncadd.s32 $0xFFFF9C00  }
0x41: {  	[spmem:s2] =	stream.indirect.scatter.add.f32 [tilespmem:s15], [sflag:$0x3], $0x40, s28, s16, $0xb8;
	[tilespmem:$0x1B620] =	vst v63  }
0x42: {  	_ =	swait.ge [sflag:s13], $0x6400  }
0x43: {  	[sflag:s13] =	ssyncset.done $0x0  }
0x44: {  	s28 =	simm.s32 $0x320;
	[sflag:s13] =	ssyncadd.s32 $0xFFFF9C00  }
0x45: {  	[tilespmem:s15], [sflag:$0x1] =	stream.indirect.gather [hbm4b:s4+s16], $0x40, s28, s16, $0xb8;
	[tilespmem:$0x1B620] =	vst v63  }
0x46: {  	_ =	swait.ge [sflag:s19], $0x6400  }
0x47: {  	[sflag:s19] =	ssyncset.done $0x0  }
0x48: {  	s28 =	simm.s32 $0x28A0;
	[sflag:s19] =	ssyncadd.s32 $0xFFFF9C00  }
0x49: {  	[spmem:s2] =	stream.indirect.scatter.add.f32 [tilespmem:s17], [sflag:$0x3], $0x40, s28, s16, $0xb8;
	[tilespmem:$0x1B620] =	vst v63  }
0x4a: {  	_ =	swait.ge [sflag:s13], $0x6400  }
0x4b: {  	[sflag:s13] =	ssyncset.done $0x0  }
0x4c: {  	s29 =	simm.s32 $0x4B0;
	s28 =	simm.s32 $0xC80;
	[sflag:s13] =	ssyncadd.s32 $0xFFFF9C00  }
.LBB2_6:
0x4d: {  	[tilespmem:s17], [sflag:$0x2] =	stream.indirect.gather [hbm4b:s4+s16], $0x40, s29, s16, $0xb8;
	[tilespmem:$0x1B620] =	vst v63  }
0x4e: {  	s29 =	smov.u32 s28  }
0x4f: {  	p0 =	sne.s32 s28, $0x7D00;
	s28 =	sadd.s32 $0xC80, s28;
	_ =	swait.ge [sflag:s18], $0x6400  }
0x50: {  	s29 =	sshra.s32 s29, $0x2;
	[sflag:s18] =	ssyncset.done $0x0  }
0x51: {  	s30 =	sadd.s32 $0x2710, s29;
	[sflag:s18] =	ssyncadd.s32 $0xFFFF9C00  }
0x52: {  	[spmem:s2] =	stream.indirect.scatter.add.f32 [tilespmem:s15], [sflag:$0x3], $0x40, s30, s16, $0xb8;
	[tilespmem:$0x1B620] =	vst v63  }
0x53: {  	_ =	swait.ge [sflag:s13], $0x6400  }
0x54: {  	[sflag:s13] =	ssyncset.done $0x0  }
0x55: {  	s30 =	sadd.s32 $0x320, s29;
	[sflag:s13] =	ssyncadd.s32 $0xFFFF9C00  }
0x56: {  	[tilespmem:s15], [sflag:$0x1] =	stream.indirect.gather [hbm4b:s4+s16], $0x40, s30, s16, $0xb8;
	[tilespmem:$0x1B620] =	vst v63  }
0x57: {  	_ =	swait.ge [sflag:s19], $0x6400  }
0x58: {  	[sflag:s19] =	ssyncset.done $0x0  }
.Ltmp2:
0x59: {  	s30 =	sadd.s32 $0x28A0, s29;
	[sflag:s19] =	ssyncadd.s32 $0xFFFF9C00;
	(pc) =	sbr.rel @p0 .LBB2_6-.Ltmp2, $4  }
0x5a: {  	[spmem:s2] =	stream.indirect.scatter.add.f32 [tilespmem:s17], [sflag:$0x3], $0x40, s30, s16, $0xb8;
	[tilespmem:$0x1B620] =	vst v63  }
0x5b: {  	_ =	swait.ge [sflag:s13], $0x6400  }
0x5c: {  	[sflag:s13] =	ssyncset.done $0x0  }
0x5d: {  	s29 =	sadd.s32 $0x4B0, s29;
	[sflag:s13] =	ssyncadd.s32 $0xFFFF9C00  }
0x5e: {  	[tilespmem:s17], [sflag:$0x2] =	stream.indirect.gather [hbm4b:s4+s16], $0x40, s29, s16, $0xb8;
	[tilespmem:$0x1B620] =	vst v63  }
0x5f: {  	_ =	swait.ge [sflag:s18], $0x6400  }
0x60: {  	[sflag:s18] =	ssyncset.done $0x0  }
0x61: {  	[sflag:s18] =	ssyncadd.s32 $0xFFFF9C00  }
0x62: {  	[spmem:s2] =	stream.indirect.scatter.add.f32 [tilespmem:s15], [sflag:$0x3], $0x40, s20, s16, $0xb8;
	[tilespmem:$0x1B620] =	vst v63  }
0x63: {  	_ =	swait.ge [sflag:s13], $0x6400  }
0x64: {  	[sflag:s13] =	ssyncset.done $0x0  }
0x65: {  	[sflag:s13] =	ssyncadd.s32 $0xFFFF9C00  }
0x66: {  	[tilespmem:s15], [sflag:$0x1] =	stream.indirect.gather [hbm4b:s4+s16], $0x40, s21, s16, $0xb8;
	[tilespmem:$0x1B620] =	vst v63  }
0x67: {  	_ =	swait.ge [sflag:s19], $0x6400  }
0x68: {  	[sflag:s19] =	ssyncset.done $0x0  }
0x69: {  	[sflag:s19] =	ssyncadd.s32 $0xFFFF9C00  }
0x6a: {  	[spmem:s2] =	stream.indirect.scatter.add.f32 [tilespmem:s17], [sflag:$0x3], $0x40, s22, s16, $0xb8;
	[tilespmem:$0x1B620] =	vst v63  }
0x6b: {  	_ =	swait.ge [sflag:s13], $0x6400  }
0x6c: {  	[sflag:s13] =	ssyncset.done $0x0  }
0x6d: {  	[sflag:s13] =	ssyncadd.s32 $0xFFFF9C00  }
0x6e: {  	_ =	swait.ge [sflag:s18], $0x6400  }
0x6f: {  	[sflag:s18] =	ssyncset.done $0x0  }
0x70: {  	[sflag:s18] =	ssyncadd.s32 $0xFFFF9C00  }
0x71: {  	[spmem:s2] =	stream.indirect.scatter.add.f32 [tilespmem:s15], [sflag:$0x3], $0x40, s23, s16, $0xb8;
	[tilespmem:$0x1B620] =	vst v63  }
0x72: {  	_ =	swait.ge [sflag:s13], $0x6400  }
0x73: {  	s28 =	sshll.u32 s0, $0x6;
	s26 =	sadd.s32 $0x1, s26;
	[sflag:s13] =	ssyncset.done $0x0  }
0x74: {  	s31 =	sshrl.u32 s5, $0x3;
	p0 =	sne.s32 s26, s12;
	[sflag:s13] =	ssyncadd.s32 $0xFFFF9C00  }
.Ltmp3:
0x75: {  	s28 =	sor.u32 $0x1C03, s28;
	[bflag:$0x0] =	sbarrier.arrive $0xFFFF;
	(pc) =	sbr.rel @p0 .LBB2_1-.Ltmp3, $4  }
0x76: {  	[hbm:s11@s24], [sflag:s28] =	dma.strided [spmem:s31@s25], $0x1400, s18, $0x8   }
0x77: {  	_ =	swait.ge [sflag:s13], $0x1400  }
0x78: {  	[sflag:s13] =	ssyncset.done $0x0  }
0x79: {  	[sflag:s13] =	ssyncadd.s32 $0xFFFFEC00  }
0x7a: {  	_ =	sfence.sel $0x180000  }
0x7b: {  	[bflag:$0x0] =	sbarrier.arrive $0xFFFF  }
0x7c: {  	p0 =	sne.s32 s0, $0x0;
	_ =	strace $0x9000004D  }
0x7d: {  	s0 =	sadd.s32 @!p0 $0x100000, s1;
	[bflag:$0x2] =	sbarrier.arrive $0xFFFF  }
0x7e: {  	[sflag:s0] =	ssyncadd.tile.s32 @!p0 $0x1;
	_ =	shalt  }
.Lfunc_end2:
_tile_overlayer_lowered:
.L_overlay_start_2:
0x7f: {  	(tag) =	ssettag $0x2  }
0x80: {  	s0 =	rddreg [dreg:$0x0];
	s2 =	stileid.u32  }
0x81: {  	s1 =	rddreg [dreg:$0x1];
	p0 =	sne.s32 s2, $0x0  }
0x82: {  	s3 =	rddreg [dreg:$0x2];
	[bflag:$0x3] =	sbarrier.arrive $0xFFFF;
	s2 =	simm.s32 @!p0 $0x1C03  }
0x83: {  	[timem:s3], [sflag:s2] =	dma.local @!p0 [hbm:s0], s1  }
0x84: {  	s0 =	simm.s32 @!p0 $0x3  }
0x85: {  	_ =	swait.ge @!p0 [sflag:s0], s1  }
0x86: {  	s1 =	ssub.s32 @!p0 $0x0, s1;
	[sflag:s0] =	ssyncset.done @!p0 $0x0  }
0x87: {  	[sflag:s0] =	ssyncadd.s32 @!p0 s1  }
0x88: {  	[bflag:$0x3] =	sbarrier.arrive $0xFFFF  }
0x89: {  	_ =	shalt  }

// kernel: kernel.8.cloned.1.call-start
scs
__scs_entry_jumppad:
0x0: {  	(pc) =	sbr.rel $0x88, $3  }
0x1: {  	(tag) =	ssettag $0x0;
	lr =	simm.s32 $0x1  }
0x2: {  	[smem:$0x3F9B] =	sst lr;
	_ =	strace $0xD0000000  }
0x3: {  	_ = 	snop  }
0x4: {  	_ = 	snop  }
0x5: {  	_ = 	snop  }
0x6: {  	_ = 	snop  }
0x7: {  	_ = 	snop  }
__scs_overlays_trampoline_lowered:
0x8: {  	[smem:$0x3FAA] =	sst s0  }
0x9: {  	[smem:$0x3FAB] =	sst s1  }
0xa: {  	[smem:$0x3FAC] =	sst s2  }
0xb: {  	[smem:$0x3FAD] =	sst s3  }
0xc: {  	[smem:$0x3FAE] =	sst s4  }
0xd: {  	[smem:$0x3FAF] =	sst s5  }
0xe: {  	[smem:$0x3FB0] =	sst s6  }
0xf: {  	[smem:$0x3FB1] =	sst s7  }
0x10: {  	[smem:$0x3FB2] =	sst s8  }
0x11: {  	[smem:$0x3FB3] =	sst s9;
	s0 =	simm.s32 @!p0 $0x0  }
0x12: {  	s1 =	sld [smem:$0x3F99];
	s0 =	simm.s32 @p0 $0x1  }
0x13: {  	[smem:$0x3FB4] =	sst s0;
	s0 =	simm.s32 @!p1 $0x0  }
0x14: {  	s2 =	sld [smem:$0x3F98];
	s0 =	simm.s32 @p1 $0x1  }
0x15: {  	[smem:$0x3FB5] =	sst s0;
	s0 =	simm.s32 @!p2 $0x0  }
0x16: {  	s3 =	sld [smem:$0x3FDB];
	s0 =	simm.s32 @p2 $0x1  }
0x17: {  	s4 =	simm.s32 $0x1BF5;
	[smem:$0x3FB7] =	sst s0  }
0x18: {  	s0 =	sld [smem:$0x3F9A];
	_ =	swait.ge [sflag:s4], $0x0  }
0x19: {  	s7 =	sld [smem:$0x3F9B]  }
0x1a: {  	s8 =	sadd.s32 $0xFFFFE003, lr  }
0x1b: {  	s9 =	sadd.s32 $0xFFFFFEF7, lr;
	s5 =	simm.s32 $0xFFFFFFFF;
	p2 =	slt.u32 s8, $0xFFFFF086  }
0x1c: {  	p1 =	slt.u32 s9, $0xF7A;
	s5 =	simm.s32 @!p2 $0x0  }
0x1d: {  	s5 =	simm.s32 @p1 $0x1;
	p0 =	seq.s32 s7, s2  }
0x1e: {  	s7 =	smul.u32 @!p0 $0xF7A, s2;
	p2 =	seq.s32 @!p0 s5, $0x0  }
0x1f: {  	s9 =	smul.u32 $0xF7A, s1;
	s8 =	simm.s32 @!p0 $0x1BF5;
	p2 =	por !p2, p0  }
0x20: {  	[sflag:s8] =	ssyncset.s32 @!p0 $0xFFFFF086;
	s6 =	sadd.s32 @!p0 s3, s7;
	s7 =	simm.s32 @!p0 $0x108  }
0x21: {  	s3 =	sadd.s32 s3, s9;
	s6 =	sadd.s32 @!p0 $0x88, s6;
	s7 =	simm.s32 @p2 $0x1082  }
0x22: {  	[simem:s7], [sflag:s8] =	dma.local @!p0 [hbm:s6], $0xF7A  }
0x23: {  	s9 =	sor.u32 $0xD0000000, s2;
	s6 =	simm.s32 $0x108;
	_ =	swait.ge @!p0 [sflag:s8], $0x0  }
0x24: {  	s3 =	sadd.s32 $0x88, s3;
	s6 =	simm.s32 @!p1 $0x1082;
	[sflag:s4] =	ssyncset.s32 $0xFFFFF086  }
0x25: {  	[simem:s6], [sflag:s4] =	dma.local [hbm:s3], $0xF7A  }
0x26: {  	[smem:$0x3F9B] =	sst s1;
	(tag) =	ssettag s2;
	_ =	strace s9  }
0x27: {  	s1 =	sld [smem:$0x3FAB]  }
0x28: {  	s2 =	sld [smem:$0x3FAC]  }
0x29: {  	s4 =	sld [smem:$0x3FAE]  }
0x2a: {  	p0 =	seq.s32 s5, $0x0;
	s5 =	sld [smem:$0x3FAF]  }
0x2b: {  	s6 =	sld [smem:$0x3FB0]  }
0x2c: {  	s7 =	sld [smem:$0x3FB1]  }
0x2d: {  	s3 =	simm.s32 $0x108;
	s8 =	sld [smem:$0x3FB2]  }
0x2e: {  	s3 =	simm.s32 @!p0 $0x1082;
	s9 =	sld [smem:$0x3FB3]  }
0x2f: {  	lr =	sadd.s32 s0, s3;
	s0 =	sld [smem:$0x3FAA]  }
0x30: {  	s3 =	sld [smem:$0x3FAD]  }
0x31: {  	[smem:$0x3FB6] =	sst s10  }
0x32: {  	s10 =	sld [smem:$0x3FB4];
	_ =	sdelay $0x3  }
0x33: {  	p0 =	seq.s32 s10, $0x1;
	s10 =	sld [smem:$0x3FB6];
	_ =	sdelay $0x3  }
0x34: {  	[smem:$0x3FB6] =	sst s10  }
0x35: {  	s10 =	sld [smem:$0x3FB5];
	_ =	sdelay $0x3  }
0x36: {  	p1 =	seq.s32 s10, $0x1;
	s10 =	sld [smem:$0x3FB6];
	_ =	sdelay $0x3  }
0x37: {  	[smem:$0x3FB6] =	sst s10  }
0x38: {  	s10 =	sld [smem:$0x3FB7]  }
0x39: {  	_ = 	snop;
	(pc) =	sbr.ind lr, $3  }
0x3a: {  	_ = 	snop  }
0x3b: {  	_ = 	snop  }
0x3c: {  	p2 =	seq.s32 s10, $0x1;
	s10 =	sld [smem:$0x3FB6]  }
0x3d: {  	_ =	shalt  }
0x3e: {  	_ =	shalt  }
0x3f: {  	_ =	shalt  }
0x40: {  	_ =	shalt  }
0x41: {  	_ =	shalt  }
0x42: {  	_ =	shalt  }
0x43: {  	_ =	shalt  }
0x44: {  	_ =	shalt  }
0x45: {  	_ =	shalt  }
0x46: {  	_ =	shalt  }
0x47: {  	_ =	shalt  }
0x48: {  	_ =	shalt  }
0x49: {  	_ =	shalt  }
0x4a: {  	_ =	shalt  }
0x4b: {  	_ =	shalt  }
0x4c: {  	_ =	shalt  }
0x4d: {  	_ =	shalt  }
0x4e: {  	_ =	shalt  }
0x4f: {  	_ =	shalt  }
0x50: {  	_ =	shalt  }
0x51: {  	_ =	shalt  }
0x52: {  	_ =	shalt  }
0x53: {  	_ =	shalt  }
0x54: {  	_ =	shalt  }
0x55: {  	_ =	shalt  }
0x56: {  	_ =	shalt  }
0x57: {  	_ =	shalt  }
0x58: {  	_ =	shalt  }
0x59: {  	_ =	shalt  }
0x5a: {  	_ =	shalt  }
0x5b: {  	_ =	shalt  }
0x5c: {  	_ =	shalt  }
0x5d: {  	_ =	shalt  }
0x5e: {  	_ =	shalt  }
0x5f: {  	_ =	shalt  }
0x60: {  	_ =	shalt  }
0x61: {  	_ =	shalt  }
0x62: {  	_ =	shalt  }
0x63: {  	_ =	shalt  }
0x64: {  	_ =	shalt  }
0x65: {  	_ =	shalt  }
0x66: {  	_ =	shalt  }
0x67: {  	_ =	shalt  }
0x68: {  	_ =	shalt  }
0x69: {  	_ =	shalt  }
0x6a: {  	_ =	shalt  }
0x6b: {  	_ =	shalt  }
0x6c: {  	_ =	shalt  }
0x6d: {  	_ =	shalt  }
0x6e: {  	_ =	shalt  }
0x6f: {  	_ =	shalt  }
0x70: {  	_ =	shalt  }
0x71: {  	_ =	shalt  }
0x72: {  	_ =	shalt  }
0x73: {  	_ =	shalt  }
0x74: {  	_ =	shalt  }
0x75: {  	_ =	shalt  }
0x76: {  	_ =	shalt  }
0x77: {  	_ =	shalt  }
0x78: {  	_ =	shalt  }
0x79: {  	_ =	shalt  }
0x7a: {  	_ =	shalt  }
0x7b: {  	_ =	shalt  }
0x7c: {  	_ =	shalt  }
0x7d: {  	_ =	shalt  }
0x7e: {  	_ =	shalt  }
0x7f: {  	_ =	shalt  }
0x80: {  	_ =	shalt  }
0x81: {  	_ =	shalt  }
0x82: {  	_ =	shalt  }
0x83: {  	_ =	shalt  }
0x84: {  	_ =	shalt  }
0x85: {  	_ =	shalt  }
0x86: {  	_ =	shalt  }
0x87: {  	_ =	shalt  }
.Lfunc_end0:
.L_simem_size_0:
called_computation_lowered:
.L_overlay_start_0:
0x88: {  	s2 =	sld [smem:$0x3FD9]  }
0x89: {  	s3 =	sld [smem:$0x3FFE];
	_ =	sdelay $0x1  }
0x8a: {  	s1 =	srdreg.scid  }
0x8b: {  	s0 =	sand.u32 $0x1, s1  }
0x8c: {  	s16 =	sshll.u32 s0, $0xA;
	s2 =	sadd.s32 s3, s2  }
0x8d: {  	s2 =	sadd.s32 s2, s16  }
0x8e: {  	[smem:$0x3FC2] =	sst s2  }
0x8f: {  	_ = 	snop  }
0x90: {  	(tm) =	ssettm $0x1  }
0x91: {  	s17 =	sld [smem:$0x3FFB];
	_ =	sdelay $0x3  }
0x92: {  	_ =	strace s17  }
0x93: {  	s2 =	sld [smem:$0x3FFC];
	_ =	sdelay $0x3  }
0x94: {  	_ =	strace s2  }
0x95: {  	s2 =	sld [smem:$0x3FFD];
	_ =	sdelay $0x3  }
0x96: {  	_ =	strace s2  }
0x97: {  	_ =	strace $0x8FFFFFFF  }
0x98: {  	s18 =	sld [smem:$0x3FDB];
	_ =	sdelay $0x1  }
0x99: {  	s19 =	simm.s32 $_scs_section_size  }
0x9a: {  	s4 =	simm.s32 $_size__tile_overlayer_lowered;
	s5 =	simm.s32 $_tile_overlayer_lowered  }
0x9b: {  	s22 =	simm.s32 $0x1BFF;
	s21 =	sshll.u32 s5, $0x1;
	s2 =	sadd.s32 s19, s18  }
0x9c: {  	s6 =	simm.s32 $0x0;
	s20 =	sshll.u32 s4, $0x1;
	s4 =	sadd.s32 s21, s2  }
0x9d: {  	[timem:s6], [sflag:s22] =	dma.local [hbm:s4], s20  }
0x9e: {  	_ =	swait.ge [sflag:s22], s20  }
0x9f: {  	s3 =	ssub.s32 $0x0, s20;
	[sflag:s22] =	ssyncset.done $0x0  }
0xa0: {  	[sflag:s22] =	ssyncadd.s32 s3;
	_ =	sdelay $0x1  }
0xa1: {  	s23 =	simm.s32 $0x1B8B  }
0xa2: {  	_ =	swait.ge [sflag:s23], $0x1  }
0xa3: {  	[sflag:s23] =	ssyncset.done $0x0  }
0xa4: {  	s25 =	simm.s32 $0x1B8E;
	s24 =	sld [smem:$0x3FFE];
	[sflag:s23] =	ssyncadd.s32 $0xFFFFFFFF  }
0xa5: {  	s26 =	simm.s32 $execute0_lowered;
	[smem:$0x3FD2] =	sst s25  }
0xa6: {  	s4 =	sshll.u32 s26, $0x1;
	_ =	strace $0x80000046;
	[dreg:$0x1] =	wrdreg $0xFFFFFFFF  }
0xa7: {  	s28 =	simm.s32 $_size_execute0_lowered;
	s2 =	sadd.s32 s2, s4;
	[dreg:$0x0] =	wrdreg $0x0  }
0xa8: {  	s4 =	sshll.u32 s28, $0x1;
	[dreg:$0x2] =	wrdreg s2  }
0xa9: {  	[dreg:$0x3] =	wrdreg s4  }
0xaa: {  	[dreg:$0x4] =	wrdreg $0xC0  }
0xab: {  	_ =	task [dreg:s6], $0x5FFFF  }
0xac: {  	[dreg:$0x1] =	wrdreg $0xFFFFFFFF  }
0xad: {  	[dreg:$0x0] =	wrdreg $0x60  }
0xae: {  	[dreg:$0x2] =	wrdreg s24  }
0xaf: {  	[dreg:$0x3] =	wrdreg $0xA4100  }
0xb0: {  	[dreg:$0x4] =	wrdreg $0x9  }
0xb1: {  	_ =	task.clear_ibuf [dreg:s6], $0x5FFFF;
	_ =	strace $0x90000046  }
0xb2: {  	s29 =	simm.s32 $0x9;
	_ =	strace $0x80000048  }
0xb3: {  	_ =	swait.ge [sflag:s29], $0x1  }
0xb4: {  	[sflag:s29] =	ssyncadd.s32 $0xFFFFFFFF  }
0xb5: {  	_ =	strace $0x90000048  }
0xb6: {  	_ =	sfence  }
0xb7: {  	s30 =	sld [smem:$0x0];
	_ =	sdelay $0x2  }
0xb8: {  	s31 =	sshll.u32 s1, $0xD;
	s1 =	sshrl.u32 s1, $0x2  }
0xb9: {  	s3 =	sand.u32 $0x4000, s31;
	s1 =	sadd.s32 s1, s30  }
0xba: {  	s0 =	sor.u32 s3, s0;
	s1 =	sshll.u32 s1, $0x11  }
0xbb: {  	s0 =	sor.u32 s1, s0  }
0xbc: {  	s0 =	sadd.s32 $0x8F2B, s0  }
0xbd: {  	[sflag:s0] =	ssyncadd.remote.s32 $0x1  }
0xbe: {  	_ =	sfence.sel $0xFFFF  }
0xbf: {  	[dreg:$0x0] =	wrdreg $0xFFFFFFFF;
	(pc) =	sbr.abs _section_cstart, $3  }
0xc0: {  	[dreg:$0x1] =	wrdreg $0xFFFFFFFF  }
0xc1: {  	_ =	task.clear_ibuf [dreg:s6], $0x2FFFF;
	_ =	strace $0x9FFFFFFF  }
0xc2: {  	(tm) =	ssettm $0x7FFFFFFF  }
0xc3: {  	_ =	shalt  }
tec
execute0_lowered:
.L_overlay_start_1:
0x0: {  	(tag) =	ssettag $0x1  }
0x1: {  	s4 =	rddreg [dreg:$0x0]  }
0x2: {  	s2 =	rddreg [dreg:$0x1]  }
0x3: {  	s0 =	srdreg.scid;
	s1 =	rddreg [dreg:$0x2]  }
0x4: {  	s3 =	simm.s32 $0x0;
	s10 =	simm.s32 $0x7D0;
	s11 =	simm.s32 $0xFA0  }
0x5: {  	s12 =	simm.s32 $0x1770;
	s13 =	simm.s32 $0x1F40;
	s16 =	simm.s32 $0x10  }
0x6: {  	s17 =	simm.s32 $0x2;
	s5 =	sand.u32 $0x1, s0;
	s0 =	stileid.u32  }
0x7: {  	s18 =	simm.s32 $0x0;
	[smem:$0x7FF] =	sst s3;
	s6 =	smul.u32 $0x140000, s5  }
0x8: {  	s7 =	smul.u32 $0x14000, s0;
	s8 =	sshll.u32 s0, $0x1;
	_ =	strace $0x80000047  }
0x9: {  	s29 =	smul.u32 $0xA000, s0;
	s14 =	sshll.u32 s0, $0x6;
	s8 =	sor.u32 s5, s8  }
0xa: {  	s5 =	ssub.s32 $0x2, s5;
	s14 =	sor.u32 $0x1C01, s14;
	s6 =	sadd.s32 s7, s6  }
0xb: {  	s28 =	smul.u32 $0x2710, s8;
	s9 =	sshrl.u32 s5, $0x1;
	s31 =	sshrl.u32 s29, $0x2  }
0xc: {  	s8 =	simm.s32 $0x1;
	s6 =	sshrl.u32 s6, $0x3;
	s30 =	ssub.s32 s5, s9  }
0xd: {  	s5 =	sadd.s32 s31, s2;
	s9 =	simm.s32 $0x2710;
	s7 =	sshrl.u32 s28, $0x3  }
0xe: {  	s6 =	sadd.s32 s6, s4;
	s15 =	sshrl.u32 s5, $0x3;
	s4 =	sadd.s32 s4, s7  }
0xf: {  	v0 =	vimm.f32 $0.0e+00;
	v1 =	vimm.f32 $1.000000000e+00;
	s6 =	sadd.s32 $0x16000, s6;
	s7 =	smax.u32 s30, $0x1;
	s4 =	sadd.s32 $0xC240, s4  }
.LBB2_1:
0x10: {  	[tilespmem:s3], [sflag:$0x1] =	stream.linear.gather [hbm4b:s4+s3], $0x2710, $0x38;
	[tilespmem:$0xCC10] =	vst v63  }
0x11: {  	_ =	swait.ge [sflag:s8], $0x2710  }
0x12: {  	[sflag:s8] =	ssyncset.done $0x0  }
0x13: {  	s19 =	simm.s32 $0x40;
	s20 =	simm.s32 $0x0;
	[sflag:s8] =	ssyncadd.s32 $0xFFFFD8F0  }
.LBB2_2:
0x14: {  	p0 =	sne.s32 s19, $0x9FC0;
	[tilespmem:s20+$0x2710] =	vst v0;
	s20 =	smov.u32 s19;
	s19 =	sadd.s32 $0x40, s19  }
.Ltmp0:
0x15: {  	(pc) =	sbr.rel @p0 .LBB2_2-.Ltmp0, $2  }
0x16: {  	_ =	sdelay $0x2  }
0x17: {  	s20 =	sshra.s32 s20, $0x2  }
0x18: {  	[tilespmem:s20+$0x2710] =	vst v0  }
0x19: {  	[spmem:s5] =	stream.linear.scatter [tilespmem:s9], [sflag:$0x1], $0x2800, $0x38;
	[tilespmem:$0xCC10] =	vst v63  }
0x1a: {  	_ =	swait.ge [sflag:s8], $0x2800  }
0x1b: {  	[sflag:s8] =	ssyncset.done $0x0  }
0x1c: {  	s19 =	simm.s32 $0x40;
	s20 =	simm.s32 $0x0;
	[sflag:s8] =	ssyncadd.s32 $0xFFFFD800  }
.LBB2_4:
0x1d: {  	p0 =	sne.s32 s19, $0x1F3C0;
	[tilespmem:s20+$0x2710] =	vst v1;
	s20 =	smov.u32 s19;
	s19 =	sadd.s32 $0x40, s19  }
.Ltmp1:
0x1e: {  	(pc) =	sbr.rel @p0 .LBB2_4-.Ltmp1, $2  }
0x1f: {  	_ =	sdelay $0x2  }
0x20: {  	s20 =	sshra.s32 s20, $0x2  }
0x21: {  	[tilespmem:s20+$0x2710] =	vst v1  }
0x22: {  	[bflag:$0x0] =	sbarrier.arrive $0xFFFF  }
0x23: {  	[spmem:s2] =	stream.indirect.scatter.add.f32 [tilespmem:s9], [sflag:$0x1], $0x10, s3, s10, $0xb8;
	[tilespmem:$0xCC10] =	vst v63  }
0x24: {  	_ =	swait.ge [sflag:s8], $0x7D00  }
0x25: {  	[sflag:s8] =	ssyncset.done $0x0  }
0x26: {  	[sflag:s8] =	ssyncadd.s32 $0xFFFF8300  }
0x27: {  	[spmem:s2] =	stream.indirect.scatter.add.f32 [tilespmem:s9], [sflag:$0x1], $0x10, s10, s10, $0xb8;
	[tilespmem:$0xCC10] =	vst v63  }
0x28: {  	_ =	swait.ge [sflag:s8], $0x7D00  }
0x29: {  	[sflag:s8] =	ssyncset.done $0x0  }
0x2a: {  	[sflag:s8] =	ssyncadd.s32 $0xFFFF8300  }
0x2b: {  	[spmem:s2] =	stream.indirect.scatter.add.f32 [tilespmem:s9], [sflag:$0x1], $0x10, s11, s10, $0xb8;
	[tilespmem:$0xCC10] =	vst v63  }
0x2c: {  	_ =	swait.ge [sflag:s8], $0x7D00  }
0x2d: {  	[sflag:s8] =	ssyncset.done $0x0  }
0x2e: {  	[sflag:s8] =	ssyncadd.s32 $0xFFFF8300  }
0x2f: {  	[spmem:s2] =	stream.indirect.scatter.add.f32 [tilespmem:s9], [sflag:$0x1], $0x10, s12, s10, $0xb8;
	[tilespmem:$0xCC10] =	vst v63  }
0x30: {  	_ =	swait.ge [sflag:s8], $0x7D00  }
0x31: {  	[sflag:s8] =	ssyncset.done $0x0  }
0x32: {  	[sflag:s8] =	ssyncadd.s32 $0xFFFF8300  }
0x33: {  	[spmem:s2] =	stream.indirect.scatter.add.f32 [tilespmem:s9], [sflag:$0x1], $0x10, s13, s10, $0xb8;
	[tilespmem:$0xCC10] =	vst v63  }
0x34: {  	_ =	swait.ge [sflag:s8], $0x7D00  }
0x35: {  	s18 =	sadd.s32 $0x1, s18;
	[sflag:s8] =	ssyncset.done $0x0  }
0x36: {  	p0 =	sne.s32 s18, s7;
	[sflag:s8] =	ssyncadd.s32 $0xFFFF8300  }
.Ltmp2:
0x37: {  	[bflag:$0x0] =	sbarrier.arrive $0xFFFF;
	(pc) =	sbr.rel @p0 .LBB2_1-.Ltmp2, $4  }
0x38: {  	[hbm:s6@s16], [sflag:s14] =	dma.strided [spmem:s15@s17], $0x500, s8, $0x2   }
0x39: {  	_ =	swait.ge [sflag:s8], $0x500  }
0x3a: {  	[sflag:s8] =	ssyncset.done $0x0  }
0x3b: {  	[sflag:s8] =	ssyncadd.s32 $0xFFFFFB00  }
0x3c: {  	_ =	sfence.sel $0x180000  }
0x3d: {  	[bflag:$0x0] =	sbarrier.arrive $0xFFFF  }
0x3e: {  	p0 =	sne.s32 s0, $0x0;
	_ =	strace $0x90000047  }
0x3f: {  	s0 =	sadd.s32 @!p0 $0x100000, s1;
	[bflag:$0x2] =	sbarrier.arrive $0xFFFF  }
0x40: {  	[sflag:s0] =	ssyncadd.tile.s32 @!p0 $0x1;
	_ =	shalt  }
.Lfunc_end2:
_tile_overlayer_lowered:
.L_overlay_start_2:
0x41: {  	(tag) =	ssettag $0x2  }
0x42: {  	s0 =	rddreg [dreg:$0x0];
	s2 =	stileid.u32  }
0x43: {  	s1 =	rddreg [dreg:$0x1];
	p0 =	sne.s32 s2, $0x0  }
0x44: {  	s3 =	rddreg [dreg:$0x2];
	[bflag:$0x3] =	sbarrier.arrive $0xFFFF;
	s2 =	simm.s32 @!p0 $0x1C01  }
0x45: {  	[timem:s3], [sflag:s2] =	dma.local @!p0 [hbm:s0], s1  }
0x46: {  	s0 =	simm.s32 @!p0 $0x1  }
0x47: {  	_ =	swait.ge @!p0 [sflag:s0], s1  }
0x48: {  	s1 =	ssub.s32 @!p0 $0x0, s1;
	[sflag:s0] =	ssyncset.done @!p0 $0x0  }
0x49: {  	[sflag:s0] =	ssyncadd.s32 @!p0 s1  }
0x4a: {  	[bflag:$0x3] =	sbarrier.arrive $0xFFFF  }
0x4b: {  	_ =	shalt  }

</sc_bundles>
